<compile_context>
chip_gen: v7x
topology: tpu7x:2x2x1
jax: 0.10.2.dev20260603
libtpu: 0.0.44.dev20260713+nightly
codegen_flags: <defaults>
</compile_context>

<pallas_src>
import functools

import jax
import jax.numpy as jnp
from jax.experimental import pallas as pl
from jax.experimental.pallas import tpu as pltpu
from jax.experimental.pallas import tpu_sc as plsc

_EPSILON = 0.05
_SRC_ALPHA = 2.0
_TGT_ALPHA = 2.0
_EVENT_ALPHA = 2.0
_ROW_BLOCK = 64

_KEY_BASE = -1107296257
_KEY_BITS = 28


def _float_key(f):
    b = jax.lax.bitcast_convert_type(f, jnp.int32)
    return b ^ (jnp.right_shift(b, 31) & jnp.int32(0x7FFFFFFF))


def _neg_count_lt(x, cand):
    return jnp.sum(jax.lax.shift_right_arithmetic(x - cand, 31), axis=-1,
                   keepdims=True)


def _topk_thresholds(key, k):
    rows, n = key.shape

    def step(i, t):
        bit = jax.lax.shift_left(jnp.int32(1), jnp.int32(_KEY_BITS - 1) - i)
        cand = t + bit
        cnt = _neg_count_lt(key, cand) + n
        return jnp.where(cnt >= k, cand, t)

    t0 = jnp.full((rows, 1), _KEY_BASE, jnp.int32)
    t = jax.lax.fori_loop(0, _KEY_BITS, step, t0)

    n_gt = _neg_count_lt(key, t + 1) + n
    m = k - n_gt

    idx = jax.lax.broadcasted_iota(jnp.int32, key.shape, 1)
    z = jnp.where(key == t, idx, jnp.int32(2 * n))

    def jstep(i, j):
        bit = jax.lax.shift_left(jnp.int32(1), jnp.int32(13) - i)
        cand = j + bit
        cnt = -_neg_count_lt(z, cand + 1)
        return jnp.where(cnt <= m, cand, j)

    j0 = jnp.full((rows, 1), jnp.int32(-1))
    j = jax.lax.fori_loop(0, 14, jstep, j0)
    return t, z, j


def _body(uw_ref, ue_ref, ks_ref, kt_ref, dr_ref, src_ref, tgt_ref,
          drout_ref):
    rb = ue_ref.shape[0]
    ue = ue_ref[...]
    f_src = jnp.log(uw_ref[0]) + jnp.log(ue) * (1.0 / _EVENT_ALPHA)
    f_tgt = jnp.log(uw_ref[1]) + jnp.log(1.0 - ue) * (1.0 / _EVENT_ALPHA)
    key = jnp.concatenate([_float_key(f_src), _float_key(f_tgt)], axis=0)
    k = jnp.concatenate([ks_ref[:, :1], kt_ref[:, :1]], axis=0)
    t, z, j = _topk_thresholds(key, k)
    mask = (key > t) | (z <= j)
    src_ref[...] = mask[:rb]
    tgt_ref[...] = mask[rb:]
    drout_ref[...] = jnp.broadcast_to(dr_ref[:, :1], drout_ref.shape)



_SC_N = 8192
_SC_BASE = 535567946
_SC_BITS = 30


def _sc_body(uw, ue, kv_hbm, dr_hbm, src_out, tgt_out, dr_out,
             abufs, ebufs, key_buf, out_buf, dr_buf, kv, drv,
             in_sems, out_sems):
    wid = jax.lax.axis_index("s") * 2 + jax.lax.axis_index("c")
    r0 = wid * 2
    rows = (r0, r0 + 1)
    pltpu.sync_copy(kv_hbm, kv)
    pltpu.sync_copy(dr_hbm, drv)

    tasks = []
    for q, (is_src, row) in enumerate(
            [(True, rows[0]), (True, rows[1]),
             (False, rows[0]), (False, rows[1])]):
        tasks.append((is_src, row, abufs[q], ebufs[q],
                      src_out if is_src else tgt_out))

    handles = []
    for q, (is_src, row, a_buf, e_buf, _) in enumerate(tasks):
        handles.append(pltpu.async_copy(
            uw.at[0 if is_src else 1, row], a_buf, in_sems[2 * q]))
        handles.append(pltpu.async_copy(ue.at[row], e_buf,
                                        in_sems[2 * q + 1]))

    out_handles = []
    for q, (is_src, row, a_buf, e_buf, out_ref) in enumerate(tasks):
        handles[2 * q].wait()
        handles[2 * q + 1].wait()

        def build(it, _, a_buf=a_buf, e_buf=e_buf, is_src=is_src):
            for s in range(8):
                off = it * 128 + s * 16
                a = a_buf[pl.ds(off, 16)]
                e = e_buf[pl.ds(off, 16)]
                bb = e if is_src else 1.0 - e
                g = a * a * bb
                key_buf[pl.ds(off, 16)] = jax.lax.bitcast_convert_type(
                    g, jnp.int32)
            return 0

        jax.lax.fori_loop(0, _SC_N // 128, build, 0)

        kpos = (row if is_src else row + 64) * 16
        kval = kv[pl.ds(kpos, 16)][0]

        def bis(i, t):
            bit = jax.lax.shift_left(jnp.int32(1),
                                     jnp.int32(_SC_BITS - 1) - i)
            cand = t + bit

            def cnt8(it, acc):
                for s in range(8):
                    off = it * 128 + s * 16
                    k16 = key_buf[pl.ds(off, 16)]
                    acc = acc + jax.lax.shift_right_arithmetic(k16 - cand,
                                                               31)
                return acc

            acc = jax.lax.fori_loop(0, _SC_N // 128, cnt8,
                                    jnp.zeros((16,), jnp.int32))
            cnt = _SC_N
            for l in range(16):
                cnt = cnt + acc[l]
            return jax.lax.select(cnt >= kval, cand, t)

        t = jax.lax.fori_loop(0, _SC_BITS, bis, jnp.int32(_SC_BASE))

        def mask(it, _):
            for s in range(8):
                off = it * 128 + s * 16
                k16 = key_buf[pl.ds(off, 16)]
                out_buf[pl.ds(off, 16)] = jnp.where(
                    k16 >= t, jnp.int32(1), jnp.int32(0))
            return 0

        jax.lax.fori_loop(0, _SC_N // 128, mask, 0)
        out_handles.append(pltpu.async_copy(out_buf, out_ref.at[row],
                                            out_sems[q]))
        out_handles[-1].wait()

        if is_src:
            dsplat = drv[pl.ds(row * 16, 16)]

            def drfill(it, _, dsplat=dsplat):
                for s in range(8):
                    off = it * 128 + s * 16
                    dr_buf[pl.ds(off, 16)] = dsplat
                return 0

            jax.lax.fori_loop(0, _SC_N // 128, drfill, 0)
            pltpu.sync_copy(dr_buf, dr_out.at[row])


_TC_ROWS = 48


def _sc_body_h(uw, ue, kv_hbm, dr_hbm, mask_out, dr_out,
               a_buf, e_buf, key_buf, out_buf, dr_buf, kv, drv,
               in_sems, out_sem):
    wid = jax.lax.axis_index("s") * 2 + jax.lax.axis_index("c")
    is_src = 1 - (wid & 1)
    row_off = jax.lax.shift_right_logical(wid, 1)
    row = _TC_ROWS + row_off
    pltpu.sync_copy(kv_hbm, kv)
    pltpu.sync_copy(dr_hbm, drv)

    h_a = pltpu.async_copy(uw.at[1 - is_src, row], a_buf, in_sems[0])
    h_e = pltpu.async_copy(ue.at[row], e_buf, in_sems[1])
    h_a.wait()
    h_e.wait()

    is_f = is_src.astype(jnp.float32)
    sgn = 2.0 * is_f - 1.0
    offs = 1.0 - is_f

    def build(it, _):
        for s in range(8):
            off = it * 128 + s * 16
            a = a_buf[pl.ds(off, 16)]
            e = e_buf[pl.ds(off, 16)]
            g = a * a * (offs + sgn * e)
            key_buf[pl.ds(off, 16)] = jax.lax.bitcast_convert_type(
                g, jnp.int32)
        return 0

    jax.lax.fori_loop(0, _SC_N // 128, build, 0)

    kpos = (row + (1 - is_src) * 64) * 16
    kval = kv[pl.ds(kpos, 16)][0]

    def bis(i, t):
        bit = jax.lax.shift_left(jnp.int32(1), jnp.int32(_SC_BITS - 1) - i)
        cand = t + bit

        def cnt8(it, acc):
            for s in range(8):
                off = it * 128 + s * 16
                k16 = key_buf[pl.ds(off, 16)]
                acc = acc + jax.lax.shift_right_arithmetic(k16 - cand, 31)
            return acc

        acc = jax.lax.fori_loop(0, _SC_N // 128, cnt8,
                                jnp.zeros((16,), jnp.int32))
        cnt = _SC_N
        for l in range(16):
            cnt = cnt + acc[l]
        return jax.lax.select(cnt >= kval, cand, t)

    t = jax.lax.fori_loop(0, _SC_BITS, bis, jnp.int32(_SC_BASE))

    def mask(it, _):
        for s in range(8):
            off = it * 128 + s * 16
            k16 = key_buf[pl.ds(off, 16)]
            out_buf[pl.ds(off, 16)] = jnp.where(
                k16 >= t, jnp.int32(1), jnp.int32(0))
        return 0

    jax.lax.fori_loop(0, _SC_N // 128, mask, 0)
    vloc = row_off + (1 - is_src) * 16
    pltpu.async_copy(out_buf, mask_out.at[vloc], out_sem).wait()

    @pl.when(is_src == 1)
    def _():
        dsplat = drv[pl.ds(row * 16, 16)]

        def drfill(it, _):
            for s in range(8):
                off = it * 128 + s * 16
                dr_buf[pl.ds(off, 16)] = dsplat
            return 0

        jax.lax.fori_loop(0, _SC_N // 128, drfill, 0)
        pltpu.sync_copy(dr_buf, dr_out.at[row_off])


def _sc_call_h(U_w, U_event, kvec, drcol):
    n = _SC_N
    sc_rows = 64 - _TC_ROWS
    mesh = plsc.VectorSubcoreMesh(core_axis_name="c", subcore_axis_name="s")
    scratch = (
        pltpu.VMEM((n,), jnp.float32),
        pltpu.VMEM((n,), jnp.float32),
        pltpu.VMEM((n,), jnp.int32),
        pltpu.VMEM((n,), jnp.int32),
        pltpu.VMEM((n,), jnp.float32),
        pltpu.VMEM((128 * 16,), jnp.int32),
        pltpu.VMEM((64 * 16,), jnp.float32),
        [pltpu.SemaphoreType.DMA for _ in range(2)],
        pltpu.SemaphoreType.DMA,
    )
    out_type = (
        jax.ShapeDtypeStruct((2 * sc_rows, n), jnp.int32),
        jax.ShapeDtypeStruct((sc_rows, n), jnp.float32),
    )
    fn = pl.kernel(_sc_body_h, out_type=out_type, mesh=mesh,
                   scratch_types=scratch)
    return fn(U_w, U_event, kvec, drcol)


def _sc_call(U_w, U_event, kvec, drcol):
    n = _SC_N
    mesh = plsc.VectorSubcoreMesh(core_axis_name="c", subcore_axis_name="s")
    scratch = (
        [pltpu.VMEM((n,), jnp.float32) for _ in range(4)],
        [pltpu.VMEM((n,), jnp.float32) for _ in range(4)],
        pltpu.VMEM((n,), jnp.int32),
        pltpu.VMEM((n,), jnp.int32),
        pltpu.VMEM((n,), jnp.float32),
        pltpu.VMEM((128 * 16,), jnp.int32),
        pltpu.VMEM((64 * 16,), jnp.float32),
        [pltpu.SemaphoreType.DMA for _ in range(8)],
        [pltpu.SemaphoreType.DMA for _ in range(4)],
    )
    out_type = (
        jax.ShapeDtypeStruct((64, n), jnp.int32),
        jax.ShapeDtypeStruct((64, n), jnp.int32),
        jax.ShapeDtypeStruct((64, n), jnp.float32),
    )
    fn = pl.kernel(_sc_body, out_type=out_type, mesh=mesh,
                   scratch_types=scratch)
    return fn(U_w, U_event, kvec, drcol)


def kernel(U_w, U_event, U_rate):
    b, n = U_event.shape
    lin = jnp.linspace(_EPSILON, 1.0 - _EPSILON, b)
    u = (lin + U_rate) % 1.0
    r_src = jnp.exp(jnp.log(u) / _SRC_ALPHA)
    r_tgt = jnp.exp(jnp.log(1.0 - u) / _TGT_ALPHA)
    dr = jnp.exp(jnp.log(u) * (1.0 / _SRC_ALPHA - 1.0)) / _SRC_ALPHA
    k_src = (r_src * n).astype(jnp.int32)
    k_tgt = (r_tgt * n).astype(jnp.int32)

    tcr = _TC_ROWS
    ks = jnp.broadcast_to(k_src[:tcr, None], (tcr, 128))
    kt = jnp.broadcast_to(k_tgt[:tcr, None], (tcr, 128))
    drb = jnp.broadcast_to(dr[:tcr, None], (tcr, 128))

    kvec = jnp.repeat(jnp.concatenate([k_src, k_tgt]), 16)
    sc_mask, sc_dr = _sc_call_h(U_w, U_event, kvec, jnp.repeat(dr, 16))

    src, tgt, dr_out = pl.pallas_call(
        _body,
        grid=(1,),
        in_specs=[
            pl.BlockSpec((2, tcr, n), lambda i: (0, 0, 0)),
            pl.BlockSpec((tcr, n), lambda i: (0, 0)),
            pl.BlockSpec((tcr, 128), lambda i: (0, 0)),
            pl.BlockSpec((tcr, 128), lambda i: (0, 0)),
            pl.BlockSpec((tcr, 128), lambda i: (0, 0)),
        ],
        out_specs=[
            pl.BlockSpec((tcr, n), lambda i: (0, 0)),
            pl.BlockSpec((tcr, n), lambda i: (0, 0)),
            pl.BlockSpec((tcr, n), lambda i: (0, 0)),
        ],
        out_shape=[
            jax.ShapeDtypeStruct((tcr, n), jnp.bool_),
            jax.ShapeDtypeStruct((tcr, n), jnp.bool_),
            jax.ShapeDtypeStruct((tcr, n), jnp.float32),
        ],
    )(U_w, U_event, ks, kt, drb)

    scr = 64 - tcr
    src_full = jnp.concatenate([src, sc_mask[:scr].astype(jnp.bool_)], 0)
    tgt_full = jnp.concatenate([tgt, sc_mask[scr:].astype(jnp.bool_)], 0)
    dr_full = jnp.concatenate([dr_out, sc_dr], 0)
    return (src_full, tgt_full, dr_full)

# --- scband reference (transcript-rebuilt; emitter-appended) ---
"""Pipeline reference for scband-binary-masking-17145509445656 (READ-ONLY COPY).

The authoritative reference and input builder live on the scoring server;
editing this copy changes nothing except your own understanding.
"""

import jax, jax.numpy as jnp
import numpy as np

NUM_TOKENS = 8192
B = 64
EPSILON = 0.05
SRC_ALPHA = 2.0
TGT_ALPHA = 2.0
EVENT_ALPHA = 2.0


def _clamp(u, eps=1e-06):
    return jnp.clip(u, eps, 1.0 - eps)


def setup_inputs(seed: int = 0) -> dict:
    key = jax.random.key(seed)
    k1, k2, k3 = jax.random.split(key, 3)
    # Explicit materialization of the rng draws used inside the torch forward
    U_w = _clamp(jax.random.uniform(k1, (2, B, NUM_TOKENS), dtype=jnp.float32))
    U_event = _clamp(jax.random.uniform(k2, (B, NUM_TOKENS), dtype=jnp.float32))
    U_rate = _clamp(jax.random.uniform(k3, (1,), dtype=jnp.float32))
    return {"U_w": U_w, "U_event": U_event, "U_rate": U_rate}


def _ranks_desc(P):
    # torch: P.argsort(descending=True).argsort() -> rank of each element (0 = largest)
    return jnp.argsort(jnp.argsort(-P, axis=-1), axis=-1)


def reference(U_w, U_event, U_rate):
    # weight_prior
    F_src = jnp.log(U_w[0]) / 1.0
    F_tgt = jnp.log(U_w[1]) / 1.0
    # event dim 's' spans all tokens (token_pattern = 's'), so repeat is identity
    F_src = F_src + jnp.log(U_event) / EVENT_ALPHA
    F_tgt = F_tgt + jnp.log(1.0 - U_event) / EVENT_ALPHA
    # rate_prior (stratify=True)
    L = jnp.linspace(EPSILON, 1.0 - EPSILON, B)
    U = (L + U_rate) % 1.0  # (B,)
    U = jnp.broadcast_to(U[:, None], (B, NUM_TOKENS))
    R_src = jnp.exp(jnp.log(U) / SRC_ALPHA)           # kumaraswamy_quantile(U, src_alpha)
    R_tgt = jnp.exp(jnp.log(1.0 - U) / TGT_ALPHA)     # kumaraswamy_quantile(1-U, tgt_alpha)
    dR = jnp.exp(jnp.log(U) * (1.0 / SRC_ALPHA - 1.0)) / SRC_ALPHA
    # k_from_rates_: .long() truncation (values positive -> floor)
    K_src = (R_src * NUM_TOKENS).astype(jnp.int32)
    K_tgt = (R_tgt * NUM_TOKENS).astype(jnp.int32)
    # binary_topk_
    src = K_src > _ranks_desc(F_src)
    tgt = K_tgt > _ranks_desc(F_tgt)
    return (src, tgt, dR)

if __name__ == "__main__":
    import jax
    _d = setup_inputs()
    print(jax.jit(kernel)(*tuple(_d.values())))

</pallas_src>

<mosaic_0001>
#map = affine_map<(d0, d1) -> (0, 0, 0)>
#map1 = affine_map<(d0, d1) -> (0, 0)>
#map2 = affine_map<(d0, d1) -> (0)>
module attributes {stable_mosaic.version = 14 : i64} {
  func.func @_sc_body_h(%arg0: i32, %arg1: i32, %arg2: memref<2x64x8192xf32, #tpu.memory_space<hbm>>, %arg3: memref<64x8192xf32, #tpu.memory_space<hbm>>, %arg4: memref<2048xi32, #tpu.memory_space<hbm>>, %arg5: memref<1024xf32, #tpu.memory_space<hbm>>, %arg6: memref<32x8192xi32, #tpu.memory_space<hbm>>, %arg7: memref<16x8192xf32, #tpu.memory_space<hbm>>, %arg8: memref<8192xf32, #tpu.memory_space<vmem>>, %arg9: memref<8192xf32, #tpu.memory_space<vmem>>, %arg10: memref<8192xi32, #tpu.memory_space<vmem>>, %arg11: memref<8192xi32, #tpu.memory_space<vmem>>, %arg12: memref<8192xf32, #tpu.memory_space<vmem>>, %arg13: memref<2048xi32, #tpu.memory_space<vmem>>, %arg14: memref<1024xf32, #tpu.memory_space<vmem>>, %arg15: memref<!tpu.dma_semaphore, #tpu.memory_space<semaphore_mem>>, %arg16: memref<!tpu.dma_semaphore, #tpu.memory_space<semaphore_mem>>, %arg17: memref<!tpu.dma_semaphore, #tpu.memory_space<semaphore_mem>>) attributes {dimension_semantics = [#tpu.dimension_semantics<core_parallel>, #tpu.dimension_semantics<subcore_parallel>], iteration_bounds = array<i64: 2, 16>, scalar_prefetch = 0 : i64, scratch_operands = 10 : i64, tpu.core_type = #tpu.core_type<sc_vector_subcore>, window_params = [{transform_indices = #map}, {transform_indices = #map1}, {transform_indices = #map2}, {transform_indices = #map2}, {transform_indices = #map1}, {transform_indices = #map1}]} {
    %mul3A = arith.constant 2 : i32
    %mul3A_0 = arith.muli %arg1, %mul3A : i32
    %add3A = arith.addi %mul3A_0, %arg0 : i32
    %and3A = arith.constant 1 : i32
    %and3A_1 = arith.andi %add3A, %and3A : i32
    %sub3A = arith.constant 1 : i32
    %sub3A_2 = arith.subi %sub3A, %and3A_1 : i32
    %shift_right_logical3A = arith.constant 1 : i32
    %shift_right_logical3A_3 = arith.shrui %add3A, %shift_right_logical3A : i32
    %add3A_4 = arith.constant 48 : i32
    %add3A_5 = arith.addi %add3A_4, %shift_right_logical3A_3 : i32
    "tpu.region"() ({
      %run_scoped3A = tpu.sem_alloc : memref<!tpu.dma_semaphore, #tpu.memory_space<semaphore_mem>>
      tpu.enqueue_dma source(%arg4 : memref<2048xi32, #tpu.memory_space<hbm>>) target(%arg13 : memref<2048xi32, #tpu.memory_space<vmem>>) target_semaphore(%run_scoped3A : memref<!tpu.dma_semaphore, #tpu.memory_space<semaphore_mem>>)
      tpu.wait_dma2 semaphore(%run_scoped3A : memref<!tpu.dma_semaphore, #tpu.memory_space<semaphore_mem>>) src(%arg4 : memref<2048xi32, #tpu.memory_space<hbm>>) dst(%arg13 : memref<2048xi32, #tpu.memory_space<vmem>>)
      tpu.yield
    }) : () -> ()
    "tpu.region"() ({
      %run_scoped3A = tpu.sem_alloc : memref<!tpu.dma_semaphore, #tpu.memory_space<semaphore_mem>>
      tpu.enqueue_dma source(%arg5 : memref<1024xf32, #tpu.memory_space<hbm>>) target(%arg14 : memref<1024xf32, #tpu.memory_space<vmem>>) target_semaphore(%run_scoped3A : memref<!tpu.dma_semaphore, #tpu.memory_space<semaphore_mem>>)
      tpu.wait_dma2 semaphore(%run_scoped3A : memref<!tpu.dma_semaphore, #tpu.memory_space<semaphore_mem>>) src(%arg5 : memref<1024xf32, #tpu.memory_space<hbm>>) dst(%arg14 : memref<1024xf32, #tpu.memory_space<vmem>>)
      tpu.yield
    }) : () -> ()
    %sub3A_6 = arith.constant 1 : i32
    %sub3A_7 = arith.subi %sub3A_6, %sub3A_2 : i32
    %dma_start3A = arith.constant 0 : i32
    %dma_start3A_8 = tpu.memref_slice %arg2[%sub3A_7, %add3A_5, %dma_start3A] : memref<2x64x8192xf32, #tpu.memory_space<hbm>> -> memref<1x1x8192xf32, #tpu.memory_space<hbm>>
    %dma_start3A_9 = tpu.memref_squeeze %dma_start3A_8 : memref<1x1x8192xf32, #tpu.memory_space<hbm>> -> memref<8192xf32, #tpu.memory_space<hbm>>
    %dma_start3A_10 = arith.constant 0 : i32
    %dma_start3A_11 = tpu.memref_slice %arg2[%sub3A_7, %add3A_5, %dma_start3A_10] : memref<2x64x8192xf32, #tpu.memory_space<hbm>> -> memref<1x1x8192xf32, #tpu.memory_space<hbm>>
    %dma_start3A_12 = tpu.memref_squeeze %dma_start3A_11 : memref<1x1x8192xf32, #tpu.memory_space<hbm>> -> memref<8192xf32, #tpu.memory_space<hbm>>
    tpu.enqueue_dma source(%dma_start3A_12 : memref<8192xf32, #tpu.memory_space<hbm>>) target(%arg8 : memref<8192xf32, #tpu.memory_space<vmem>>) target_semaphore(%arg15 : memref<!tpu.dma_semaphore, #tpu.memory_space<semaphore_mem>>)
    %dma_start3A_13 = arith.constant 0 : i32
    %dma_start3A_14 = tpu.memref_slice %arg3[%add3A_5, %dma_start3A_13] : memref<64x8192xf32, #tpu.memory_space<hbm>> -> memref<1x8192xf32, #tpu.memory_space<hbm>>
    %dma_start3A_15 = tpu.memref_squeeze %dma_start3A_14 : memref<1x8192xf32, #tpu.memory_space<hbm>> -> memref<8192xf32, #tpu.memory_space<hbm>>
    %dma_start3A_16 = arith.constant 0 : i32
    %dma_start3A_17 = tpu.memref_slice %arg3[%add3A_5, %dma_start3A_16] : memref<64x8192xf32, #tpu.memory_space<hbm>> -> memref<1x8192xf32, #tpu.memory_space<hbm>>
    %dma_start3A_18 = tpu.memref_squeeze %dma_start3A_17 : memref<1x8192xf32, #tpu.memory_space<hbm>> -> memref<8192xf32, #tpu.memory_space<hbm>>
    tpu.enqueue_dma source(%dma_start3A_18 : memref<8192xf32, #tpu.memory_space<hbm>>) target(%arg9 : memref<8192xf32, #tpu.memory_space<vmem>>) target_semaphore(%arg16 : memref<!tpu.dma_semaphore, #tpu.memory_space<semaphore_mem>>)
    %dma_wait3A = arith.constant 0 : i32
    %dma_wait3A_19 = tpu.memref_slice %arg2[%sub3A_7, %add3A_5, %dma_wait3A] : memref<2x64x8192xf32, #tpu.memory_space<hbm>> -> memref<1x1x8192xf32, #tpu.memory_space<hbm>>
    %dma_wait3A_20 = tpu.memref_squeeze %dma_wait3A_19 : memref<1x1x8192xf32, #tpu.memory_space<hbm>> -> memref<8192xf32, #tpu.memory_space<hbm>>
    %dma_wait3A_21 = arith.constant 0 : i32
    %dma_wait3A_22 = tpu.memref_slice %arg2[%sub3A_7, %add3A_5, %dma_wait3A_21] : memref<2x64x8192xf32, #tpu.memory_space<hbm>> -> memref<1x1x8192xf32, #tpu.memory_space<hbm>>
    %dma_wait3A_23 = tpu.memref_squeeze %dma_wait3A_22 : memref<1x1x8192xf32, #tpu.memory_space<hbm>> -> memref<8192xf32, #tpu.memory_space<hbm>>
    tpu.wait_dma2 semaphore(%arg15 : memref<!tpu.dma_semaphore, #tpu.memory_space<semaphore_mem>>) src(%dma_wait3A_23 : memref<8192xf32, #tpu.memory_space<hbm>>) dst(%arg8 : memref<8192xf32, #tpu.memory_space<vmem>>)
    %dma_wait3A_24 = arith.constant 0 : i32
    %dma_wait3A_25 = tpu.memref_slice %arg3[%add3A_5, %dma_wait3A_24] : memref<64x8192xf32, #tpu.memory_space<hbm>> -> memref<1x8192xf32, #tpu.memory_space<hbm>>
    %dma_wait3A_26 = tpu.memref_squeeze %dma_wait3A_25 : memref<1x8192xf32, #tpu.memory_space<hbm>> -> memref<8192xf32, #tpu.memory_space<hbm>>
    %dma_wait3A_27 = arith.constant 0 : i32
    %dma_wait3A_28 = tpu.memref_slice %arg3[%add3A_5, %dma_wait3A_27] : memref<64x8192xf32, #tpu.memory_space<hbm>> -> memref<1x8192xf32, #tpu.memory_space<hbm>>
    %dma_wait3A_29 = tpu.memref_squeeze %dma_wait3A_28 : memref<1x8192xf32, #tpu.memory_space<hbm>> -> memref<8192xf32, #tpu.memory_space<hbm>>
    tpu.wait_dma2 semaphore(%arg16 : memref<!tpu.dma_semaphore, #tpu.memory_space<semaphore_mem>>) src(%dma_wait3A_29 : memref<8192xf32, #tpu.memory_space<hbm>>) dst(%arg9 : memref<8192xf32, #tpu.memory_space<vmem>>)
    %convert_element_type3A = arith.sitofp %sub3A_2 : i32 to f32
    %mul3A_30 = arith.constant 2.000000e+00 : f32
    %mul3A_31 = arith.mulf %mul3A_30, %convert_element_type3A : f32
    %sub3A_32 = arith.constant 1.000000e+00 : f32
    %sub3A_33 = arith.subf %mul3A_31, %sub3A_32 : f32
    %sub3A_34 = arith.constant 1.000000e+00 : f32
    %sub3A_35 = arith.subf %sub3A_34, %convert_element_type3A : f32
    %scan3A = arith.constant 0 : i32
    %scan3A_36 = arith.constant 0 : i32
    %scan3A_37 = arith.constant 64 : i32
    %scan3A_38 = arith.addi %scan3A_36, %scan3A_37 : i32
    %scan3A_39 = arith.constant 1 : i32
    %scan3A_40 = scf.for %scan3A_85 = %scan3A_36 to %scan3A_38 step %scan3A_39 iter_args(%scan3A_86 = %scan3A) -> (i32)  : i32 {
      %mul3A_87 = arith.constant 128 : i32
      %mul3A_88 = arith.muli %scan3A_85, %mul3A_87 : i32
      %add3A_89 = arith.constant 0 : i32
      %add3A_90 = arith.addi %mul3A_88, %add3A_89 : i32
      %get3A_91 = arith.index_cast %add3A_90 : i32 to index
      %get3A_92 = tpu.vector_load %arg8[%get3A_91] {strides = array<i32>} : memref<8192xf32, #tpu.memory_space<vmem>>, vector<16xf32>,
      %get3A_93 = vector.shape_cast %get3A_92 : vector<16xf32> to vector<16xf32>
      %get3A_94 = arith.index_cast %add3A_90 : i32 to index
      %get3A_95 = tpu.vector_load %arg9[%get3A_94] {strides = array<i32>} : memref<8192xf32, #tpu.memory_space<vmem>>, vector<16xf32>,
      %get3A_96 = vector.shape_cast %get3A_95 : vector<16xf32> to vector<16xf32>
      %mul3A_97 = arith.mulf %get3A_93, %get3A_93 : vector<16xf32>
      %mul3A_98 = vector.broadcast %sub3A_33 : f32 to vector<16xf32>
      %mul3A_99 = arith.mulf %mul3A_98, %get3A_96 : vector<16xf32>
      %add3A_100 = vector.broadcast %sub3A_35 : f32 to vector<16xf32>
      %add3A_101 = arith.addf %add3A_100, %mul3A_99 : vector<16xf32>
      %mul3A_102 = arith.mulf %mul3A_97, %add3A_101 : vector<16xf32>
      %bitcast_convert_type3A = tpu.bitcast %mul3A_102 : vector<16xf32> -> vector<16xi32>
      %swap3A = arith.index_cast %add3A_90 : i32 to index
      %swap3A_103 = tpu.vector_load %arg10[%swap3A] {strides = array<i32>} : memref<8192xi32, #tpu.memory_space<vmem>>, vector<16xi32>,
      %swap3A_104 = vector.shape_cast %swap3A_103 : vector<16xi32> to vector<16xi32>
      %swap3A_105 = vector.shape_cast %bitcast_convert_type3A : vector<16xi32> to vector<16xi32>
      tpu.vector_store %arg10[%swap3A], %swap3A_105 {strides = array<i32>} : memref<8192xi32, #tpu.memory_space<vmem>>, vector<16xi32>,
      %mul3A_106 = arith.constant 128 : i32
      %mul3A_107 = arith.muli %scan3A_85, %mul3A_106 : i32
      %add3A_108 = arith.constant 16 : i32
      %add3A_109 = arith.addi %mul3A_107, %add3A_108 : i32
      %get3A_110 = arith.index_cast %add3A_109 : i32 to index
      %get3A_111 = tpu.vector_load %arg8[%get3A_110] {strides = array<i32>} : memref<8192xf32, #tpu.memory_space<vmem>>, vector<16xf32>,
      %get3A_112 = vector.shape_cast %get3A_111 : vector<16xf32> to vector<16xf32>
      %get3A_113 = arith.index_cast %add3A_109 : i32 to index
      %get3A_114 = tpu.vector_load %arg9[%get3A_113] {strides = array<i32>} : memref<8192xf32, #tpu.memory_space<vmem>>, vector<16xf32>,
      %get3A_115 = vector.shape_cast %get3A_114 : vector<16xf32> to vector<16xf32>
      %mul3A_116 = arith.mulf %get3A_112, %get3A_112 : vector<16xf32>
      %mul3A_117 = vector.broadcast %sub3A_33 : f32 to vector<16xf32>
      %mul3A_118 = arith.mulf %mul3A_117, %get3A_115 : vector<16xf32>
      %add3A_119 = vector.broadcast %sub3A_35 : f32 to vector<16xf32>
      %add3A_120 = arith.addf %add3A_119, %mul3A_118 : vector<16xf32>
      %mul3A_121 = arith.mulf %mul3A_116, %add3A_120 : vector<16xf32>
      %bitcast_convert_type3A_122 = tpu.bitcast %mul3A_121 : vector<16xf32> -> vector<16xi32>
      %swap3A_123 = arith.index_cast %add3A_109 : i32 to index
      %swap3A_124 = tpu.vector_load %arg10[%swap3A_123] {strides = array<i32>} : memref<8192xi32, #tpu.memory_space<vmem>>, vector<16xi32>,
      %swap3A_125 = vector.shape_cast %swap3A_124 : vector<16xi32> to vector<16xi32>
      %swap3A_126 = vector.shape_cast %bitcast_convert_type3A_122 : vector<16xi32> to vector<16xi32>
      tpu.vector_store %arg10[%swap3A_123], %swap3A_126 {strides = array<i32>} : memref<8192xi32, #tpu.memory_space<vmem>>, vector<16xi32>,
      %mul3A_127 = arith.constant 128 : i32
      %mul3A_128 = arith.muli %scan3A_85, %mul3A_127 : i32
      %add3A_129 = arith.constant 32 : i32
      %add3A_130 = arith.addi %mul3A_128, %add3A_129 : i32
      %get3A_131 = arith.index_cast %add3A_130 : i32 to index
      %get3A_132 = tpu.vector_load %arg8[%get3A_131] {strides = array<i32>} : memref<8192xf32, #tpu.memory_space<vmem>>, vector<16xf32>,
      %get3A_133 = vector.shape_cast %get3A_132 : vector<16xf32> to vector<16xf32>
      %get3A_134 = arith.index_cast %add3A_130 : i32 to index
      %get3A_135 = tpu.vector_load %arg9[%get3A_134] {strides = array<i32>} : memref<8192xf32, #tpu.memory_space<vmem>>, vector<16xf32>,
      %get3A_136 = vector.shape_cast %get3A_135 : vector<16xf32> to vector<16xf32>
      %mul3A_137 = arith.mulf %get3A_133, %get3A_133 : vector<16xf32>
      %mul3A_138 = vector.broadcast %sub3A_33 : f32 to vector<16xf32>
      %mul3A_139 = arith.mulf %mul3A_138, %get3A_136 : vector<16xf32>
      %add3A_140 = vector.broadcast %sub3A_35 : f32 to vector<16xf32>
      %add3A_141 = arith.addf %add3A_140, %mul3A_139 : vector<16xf32>
      %mul3A_142 = arith.mulf %mul3A_137, %add3A_141 : vector<16xf32>
      %bitcast_convert_type3A_143 = tpu.bitcast %mul3A_142 : vector<16xf32> -> vector<16xi32>
      %swap3A_144 = arith.index_cast %add3A_130 : i32 to index
      %swap3A_145 = tpu.vector_load %arg10[%swap3A_144] {strides = array<i32>} : memref<8192xi32, #tpu.memory_space<vmem>>, vector<16xi32>,
      %swap3A_146 = vector.shape_cast %swap3A_145 : vector<16xi32> to vector<16xi32>
      %swap3A_147 = vector.shape_cast %bitcast_convert_type3A_143 : vector<16xi32> to vector<16xi32>
      tpu.vector_store %arg10[%swap3A_144], %swap3A_147 {strides = array<i32>} : memref<8192xi32, #tpu.memory_space<vmem>>, vector<16xi32>,
      %mul3A_148 = arith.constant 128 : i32
      %mul3A_149 = arith.muli %scan3A_85, %mul3A_148 : i32
      %add3A_150 = arith.constant 48 : i32
      %add3A_151 = arith.addi %mul3A_149, %add3A_150 : i32
      %get3A_152 = arith.index_cast %add3A_151 : i32 to index
      %get3A_153 = tpu.vector_load %arg8[%get3A_152] {strides = array<i32>} : memref<8192xf32, #tpu.memory_space<vmem>>, vector<16xf32>,
      %get3A_154 = vector.shape_cast %get3A_153 : vector<16xf32> to vector<16xf32>
      %get3A_155 = arith.index_cast %add3A_151 : i32 to index
      %get3A_156 = tpu.vector_load %arg9[%get3A_155] {strides = array<i32>} : memref<8192xf32, #tpu.memory_space<vmem>>, vector<16xf32>,
      %get3A_157 = vector.shape_cast %get3A_156 : vector<16xf32> to vector<16xf32>
      %mul3A_158 = arith.mulf %get3A_154, %get3A_154 : vector<16xf32>
      %mul3A_159 = vector.broadcast %sub3A_33 : f32 to vector<16xf32>
      %mul3A_160 = arith.mulf %mul3A_159, %get3A_157 : vector<16xf32>
      %add3A_161 = vector.broadcast %sub3A_35 : f32 to vector<16xf32>
      %add3A_162 = arith.addf %add3A_161, %mul3A_160 : vector<16xf32>
      %mul3A_163 = arith.mulf %mul3A_158, %add3A_162 : vector<16xf32>
      %bitcast_convert_type3A_164 = tpu.bitcast %mul3A_163 : vector<16xf32> -> vector<16xi32>
      %swap3A_165 = arith.index_cast %add3A_151 : i32 to index
      %swap3A_166 = tpu.vector_load %arg10[%swap3A_165] {strides = array<i32>} : memref<8192xi32, #tpu.memory_space<vmem>>, vector<16xi32>,
      %swap3A_167 = vector.shape_cast %swap3A_166 : vector<16xi32> to vector<16xi32>
      %swap3A_168 = vector.shape_cast %bitcast_convert_type3A_164 : vector<16xi32> to vector<16xi32>
      tpu.vector_store %arg10[%swap3A_165], %swap3A_168 {strides = array<i32>} : memref<8192xi32, #tpu.memory_space<vmem>>, vector<16xi32>,
      %mul3A_169 = arith.constant 128 : i32
      %mul3A_170 = arith.muli %scan3A_85, %mul3A_169 : i32
      %add3A_171 = arith.constant 64 : i32
      %add3A_172 = arith.addi %mul3A_170, %add3A_171 : i32
      %get3A_173 = arith.index_cast %add3A_172 : i32 to index
      %get3A_174 = tpu.vector_load %arg8[%get3A_173] {strides = array<i32>} : memref<8192xf32, #tpu.memory_space<vmem>>, vector<16xf32>,
      %get3A_175 = vector.shape_cast %get3A_174 : vector<16xf32> to vector<16xf32>
      %get3A_176 = arith.index_cast %add3A_172 : i32 to index
      %get3A_177 = tpu.vector_load %arg9[%get3A_176] {strides = array<i32>} : memref<8192xf32, #tpu.memory_space<vmem>>, vector<16xf32>,
      %get3A_178 = vector.shape_cast %get3A_177 : vector<16xf32> to vector<16xf32>
      %mul3A_179 = arith.mulf %get3A_175, %get3A_175 : vector<16xf32>
      %mul3A_180 = vector.broadcast %sub3A_33 : f32 to vector<16xf32>
      %mul3A_181 = arith.mulf %mul3A_180, %get3A_178 : vector<16xf32>
      %add3A_182 = vector.broadcast %sub3A_35 : f32 to vector<16xf32>
      %add3A_183 = arith.addf %add3A_182, %mul3A_181 : vector<16xf32>
      %mul3A_184 = arith.mulf %mul3A_179, %add3A_183 : vector<16xf32>
      %bitcast_convert_type3A_185 = tpu.bitcast %mul3A_184 : vector<16xf32> -> vector<16xi32>
      %swap3A_186 = arith.index_cast %add3A_172 : i32 to index
      %swap3A_187 = tpu.vector_load %arg10[%swap3A_186] {strides = array<i32>} : memref<8192xi32, #tpu.memory_space<vmem>>, vector<16xi32>,
      %swap3A_188 = vector.shape_cast %swap3A_187 : vector<16xi32> to vector<16xi32>
      %swap3A_189 = vector.shape_cast %bitcast_convert_type3A_185 : vector<16xi32> to vector<16xi32>
      tpu.vector_store %arg10[%swap3A_186], %swap3A_189 {strides = array<i32>} : memref<8192xi32, #tpu.memory_space<vmem>>, vector<16xi32>,
      %mul3A_190 = arith.constant 128 : i32
      %mul3A_191 = arith.muli %scan3A_85, %mul3A_190 : i32
      %add3A_192 = arith.constant 80 : i32
      %add3A_193 = arith.addi %mul3A_191, %add3A_192 : i32
      %get3A_194 = arith.index_cast %add3A_193 : i32 to index
      %get3A_195 = tpu.vector_load %arg8[%get3A_194] {strides = array<i32>} : memref<8192xf32, #tpu.memory_space<vmem>>, vector<16xf32>,
      %get3A_196 = vector.shape_cast %get3A_195 : vector<16xf32> to vector<16xf32>
      %get3A_197 = arith.index_cast %add3A_193 : i32 to index
      %get3A_198 = tpu.vector_load %arg9[%get3A_197] {strides = array<i32>} : memref<8192xf32, #tpu.memory_space<vmem>>, vector<16xf32>,
      %get3A_199 = vector.shape_cast %get3A_198 : vector<16xf32> to vector<16xf32>
      %mul3A_200 = arith.mulf %get3A_196, %get3A_196 : vector<16xf32>
      %mul3A_201 = vector.broadcast %sub3A_33 : f32 to vector<16xf32>
      %mul3A_202 = arith.mulf %mul3A_201, %get3A_199 : vector<16xf32>
      %add3A_203 = vector.broadcast %sub3A_35 : f32 to vector<16xf32>
      %add3A_204 = arith.addf %add3A_203, %mul3A_202 : vector<16xf32>
      %mul3A_205 = arith.mulf %mul3A_200, %add3A_204 : vector<16xf32>
      %bitcast_convert_type3A_206 = tpu.bitcast %mul3A_205 : vector<16xf32> -> vector<16xi32>
      %swap3A_207 = arith.index_cast %add3A_193 : i32 to index
      %swap3A_208 = tpu.vector_load %arg10[%swap3A_207] {strides = array<i32>} : memref<8192xi32, #tpu.memory_space<vmem>>, vector<16xi32>,
      %swap3A_209 = vector.shape_cast %swap3A_208 : vector<16xi32> to vector<16xi32>
      %swap3A_210 = vector.shape_cast %bitcast_convert_type3A_206 : vector<16xi32> to vector<16xi32>
      tpu.vector_store %arg10[%swap3A_207], %swap3A_210 {strides = array<i32>} : memref<8192xi32, #tpu.memory_space<vmem>>, vector<16xi32>,
      %mul3A_211 = arith.constant 128 : i32
      %mul3A_212 = arith.muli %scan3A_85, %mul3A_211 : i32
      %add3A_213 = arith.constant 96 : i32
      %add3A_214 = arith.addi %mul3A_212, %add3A_213 : i32
      %get3A_215 = arith.index_cast %add3A_214 : i32 to index
      %get3A_216 = tpu.vector_load %arg8[%get3A_215] {strides = array<i32>} : memref<8192xf32, #tpu.memory_space<vmem>>, vector<16xf32>,
      %get3A_217 = vector.shape_cast %get3A_216 : vector<16xf32> to vector<16xf32>
      %get3A_218 = arith.index_cast %add3A_214 : i32 to index
      %get3A_219 = tpu.vector_load %arg9[%get3A_218] {strides = array<i32>} : memref<8192xf32, #tpu.memory_space<vmem>>, vector<16xf32>,
      %get3A_220 = vector.shape_cast %get3A_219 : vector<16xf32> to vector<16xf32>
      %mul3A_221 = arith.mulf %get3A_217, %get3A_217 : vector<16xf32>
      %mul3A_222 = vector.broadcast %sub3A_33 : f32 to vector<16xf32>
      %mul3A_223 = arith.mulf %mul3A_222, %get3A_220 : vector<16xf32>
      %add3A_224 = vector.broadcast %sub3A_35 : f32 to vector<16xf32>
      %add3A_225 = arith.addf %add3A_224, %mul3A_223 : vector<16xf32>
      %mul3A_226 = arith.mulf %mul3A_221, %add3A_225 : vector<16xf32>
      %bitcast_convert_type3A_227 = tpu.bitcast %mul3A_226 : vector<16xf32> -> vector<16xi32>
      %swap3A_228 = arith.index_cast %add3A_214 : i32 to index
      %swap3A_229 = tpu.vector_load %arg10[%swap3A_228] {strides = array<i32>} : memref<8192xi32, #tpu.memory_space<vmem>>, vector<16xi32>,
      %swap3A_230 = vector.shape_cast %swap3A_229 : vector<16xi32> to vector<16xi32>
      %swap3A_231 = vector.shape_cast %bitcast_convert_type3A_227 : vector<16xi32> to vector<16xi32>
      tpu.vector_store %arg10[%swap3A_228], %swap3A_231 {strides = array<i32>} : memref<8192xi32, #tpu.memory_space<vmem>>, vector<16xi32>,
      %mul3A_232 = arith.constant 128 : i32
      %mul3A_233 = arith.muli %scan3A_85, %mul3A_232 : i32
      %add3A_234 = arith.constant 112 : i32
      %add3A_235 = arith.addi %mul3A_233, %add3A_234 : i32
      %get3A_236 = arith.index_cast %add3A_235 : i32 to index
      %get3A_237 = tpu.vector_load %arg8[%get3A_236] {strides = array<i32>} : memref<8192xf32, #tpu.memory_space<vmem>>, vector<16xf32>,
      %get3A_238 = vector.shape_cast %get3A_237 : vector<16xf32> to vector<16xf32>
      %get3A_239 = arith.index_cast %add3A_235 : i32 to index
      %get3A_240 = tpu.vector_load %arg9[%get3A_239] {strides = array<i32>} : memref<8192xf32, #tpu.memory_space<vmem>>, vector<16xf32>,
      %get3A_241 = vector.shape_cast %get3A_240 : vector<16xf32> to vector<16xf32>
      %mul3A_242 = arith.mulf %get3A_238, %get3A_238 : vector<16xf32>
      %mul3A_243 = vector.broadcast %sub3A_33 : f32 to vector<16xf32>
      %mul3A_244 = arith.mulf %mul3A_243, %get3A_241 : vector<16xf32>
      %add3A_245 = vector.broadcast %sub3A_35 : f32 to vector<16xf32>
      %add3A_246 = arith.addf %add3A_245, %mul3A_244 : vector<16xf32>
      %mul3A_247 = arith.mulf %mul3A_242, %add3A_246 : vector<16xf32>
      %bitcast_convert_type3A_248 = tpu.bitcast %mul3A_247 : vector<16xf32> -> vector<16xi32>
      %swap3A_249 = arith.index_cast %add3A_235 : i32 to index
      %swap3A_250 = tpu.vector_load %arg10[%swap3A_249] {strides = array<i32>} : memref<8192xi32, #tpu.memory_space<vmem>>, vector<16xi32>,
      %swap3A_251 = vector.shape_cast %swap3A_250 : vector<16xi32> to vector<16xi32>
      %swap3A_252 = vector.shape_cast %bitcast_convert_type3A_248 : vector<16xi32> to vector<16xi32>
      tpu.vector_store %arg10[%swap3A_249], %swap3A_252 {strides = array<i32>} : memref<8192xi32, #tpu.memory_space<vmem>>, vector<16xi32>,
      %scan3A_253 = arith.constant 0 : i32
      scf.yield %scan3A_253 : i32
    }
    %scan3A_41 = arith.constant 64 : i32
    %sub3A_42 = arith.constant 1 : i32
    %sub3A_43 = arith.subi %sub3A_42, %sub3A_2 : i32
    %mul3A_44 = arith.constant 64 : i32
    %mul3A_45 = arith.muli %sub3A_43, %mul3A_44 : i32
    %add3A_46 = arith.addi %add3A_5, %mul3A_45 : i32
    %mul3A_47 = arith.constant 16 : i32
    %mul3A_48 = arith.muli %add3A_46, %mul3A_47 : i32
    %get3A = arith.index_cast %mul3A_48 : i32 to index
    %get3A_49 = tpu.vector_load %arg13[%get3A] {strides = array<i32>} : memref<2048xi32, #tpu.memory_space<vmem>>, vector<16xi32>,
    %get3A_50 = vector.shape_cast %get3A_49 : vector<16xi32> to vector<16xi32>
    %slice3A = vector.extract_strided_slice %get3A_50 {offsets = [0], sizes = [1], strides = [1]} : vector<16xi32> to vector<1xi32>
    %squeeze3A = vector.extract %slice3A[0] : i32 from vector<1xi32>
    %scan3A_51 = arith.constant 535567946 : i32
    %scan3A_52 = arith.constant 0 : i32
    %scan3A_53 = arith.constant 30 : i32
    %scan3A_54 = arith.addi %scan3A_52, %scan3A_53 : i32
    %scan3A_55 = arith.constant 1 : i32
    %scan3A_56 = scf.for %scan3A_85 = %scan3A_52 to %scan3A_54 step %scan3A_55 iter_args(%scan3A_86 = %scan3A_51) -> (i32)  : i32 {
      %sub3A_87 = arith.constant 29 : i32
      %sub3A_88 = arith.subi %sub3A_87, %scan3A_85 : i32
      %shift_left3A = arith.constant 1 : i32
      %shift_left3A_89 = arith.shli %shift_left3A, %sub3A_88 : i32
      %add3A_90 = arith.addi %scan3A_86, %shift_left3A_89 : i32
      %broadcast_in_dim3A = arith.constant 0 : i32
      %broadcast_in_dim3A_91 = vector.broadcast %broadcast_in_dim3A : i32 to vector<16xi32>
      %scan3A_92 = arith.constant 0 : i32
      %scan3A_93 = arith.constant 64 : i32
      %scan3A_94 = arith.addi %scan3A_92, %scan3A_93 : i32
      %scan3A_95 = arith.constant 1 : i32
      %scan3A_96 = scf.for %scan3A_147 = %scan3A_92 to %scan3A_94 step %scan3A_95 iter_args(%scan3A_148 = %broadcast_in_dim3A_91) -> (vector<16xi32>)  : i32 {
        %mul3A_149 = arith.constant 128 : i32
        %mul3A_150 = arith.muli %scan3A_147, %mul3A_149 : i32
        %add3A_151 = arith.constant 0 : i32
        %add3A_152 = arith.addi %mul3A_150, %add3A_151 : i32
        %get3A_153 = arith.index_cast %add3A_152 : i32 to index
        %get3A_154 = tpu.vector_load %arg10[%get3A_153] {strides = array<i32>} : memref<8192xi32, #tpu.memory_space<vmem>>, vector<16xi32>,
        %get3A_155 = vector.shape_cast %get3A_154 : vector<16xi32> to vector<16xi32>
        %sub3A_156 = vector.broadcast %add3A_90 : i32 to vector<16xi32>
        %sub3A_157 = arith.subi %get3A_155, %sub3A_156 : vector<16xi32>
        %shift_right_arithmetic3A = arith.constant 31 : i32
        %shift_right_arithmetic3A_158 = vector.broadcast %shift_right_arithmetic3A : i32 to vector<16xi32>
        %shift_right_arithmetic3A_159 = arith.shrsi %sub3A_157, %shift_right_arithmetic3A_158 : vector<16xi32>
        %add3A_160 = arith.addi %scan3A_148, %shift_right_arithmetic3A_159 : vector<16xi32>
        %mul3A_161 = arith.constant 128 : i32
        %mul3A_162 = arith.muli %scan3A_147, %mul3A_161 : i32
        %add3A_163 = arith.constant 16 : i32
        %add3A_164 = arith.addi %mul3A_162, %add3A_163 : i32
        %get3A_165 = arith.index_cast %add3A_164 : i32 to index
        %get3A_166 = tpu.vector_load %arg10[%get3A_165] {strides = array<i32>} : memref<8192xi32, #tpu.memory_space<vmem>>, vector<16xi32>,
        %get3A_167 = vector.shape_cast %get3A_166 : vector<16xi32> to vector<16xi32>
        %sub3A_168 = vector.broadcast %add3A_90 : i32 to vector<16xi32>
        %sub3A_169 = arith.subi %get3A_167, %sub3A_168 : vector<16xi32>
        %shift_right_arithmetic3A_170 = arith.constant 31 : i32
        %shift_right_arithmetic3A_171 = vector.broadcast %shift_right_arithmetic3A_170 : i32 to vector<16xi32>
        %shift_right_arithmetic3A_172 = arith.shrsi %sub3A_169, %shift_right_arithmetic3A_171 : vector<16xi32>
        %add3A_173 = arith.addi %add3A_160, %shift_right_arithmetic3A_172 : vector<16xi32>
        %mul3A_174 = arith.constant 128 : i32
        %mul3A_175 = arith.muli %scan3A_147, %mul3A_174 : i32
        %add3A_176 = arith.constant 32 : i32
        %add3A_177 = arith.addi %mul3A_175, %add3A_176 : i32
        %get3A_178 = arith.index_cast %add3A_177 : i32 to index
        %get3A_179 = tpu.vector_load %arg10[%get3A_178] {strides = array<i32>} : memref<8192xi32, #tpu.memory_space<vmem>>, vector<16xi32>,
        %get3A_180 = vector.shape_cast %get3A_179 : vector<16xi32> to vector<16xi32>
        %sub3A_181 = vector.broadcast %add3A_90 : i32 to vector<16xi32>
        %sub3A_182 = arith.subi %get3A_180, %sub3A_181 : vector<16xi32>
        %shift_right_arithmetic3A_183 = arith.constant 31 : i32
        %shift_right_arithmetic3A_184 = vector.broadcast %shift_right_arithmetic3A_183 : i32 to vector<16xi32>
        %shift_right_arithmetic3A_185 = arith.shrsi %sub3A_182, %shift_right_arithmetic3A_184 : vector<16xi32>
        %add3A_186 = arith.addi %add3A_173, %shift_right_arithmetic3A_185 : vector<16xi32>
        %mul3A_187 = arith.constant 128 : i32
        %mul3A_188 = arith.muli %scan3A_147, %mul3A_187 : i32
        %add3A_189 = arith.constant 48 : i32
        %add3A_190 = arith.addi %mul3A_188, %add3A_189 : i32
        %get3A_191 = arith.index_cast %add3A_190 : i32 to index
        %get3A_192 = tpu.vector_load %arg10[%get3A_191] {strides = array<i32>} : memref<8192xi32, #tpu.memory_space<vmem>>, vector<16xi32>,
        %get3A_193 = vector.shape_cast %get3A_192 : vector<16xi32> to vector<16xi32>
        %sub3A_194 = vector.broadcast %add3A_90 : i32 to vector<16xi32>
        %sub3A_195 = arith.subi %get3A_193, %sub3A_194 : vector<16xi32>
        %shift_right_arithmetic3A_196 = arith.constant 31 : i32
        %shift_right_arithmetic3A_197 = vector.broadcast %shift_right_arithmetic3A_196 : i32 to vector<16xi32>
        %shift_right_arithmetic3A_198 = arith.shrsi %sub3A_195, %shift_right_arithmetic3A_197 : vector<16xi32>
        %add3A_199 = arith.addi %add3A_186, %shift_right_arithmetic3A_198 : vector<16xi32>
        %mul3A_200 = arith.constant 128 : i32
        %mul3A_201 = arith.muli %scan3A_147, %mul3A_200 : i32
        %add3A_202 = arith.constant 64 : i32
        %add3A_203 = arith.addi %mul3A_201, %add3A_202 : i32
        %get3A_204 = arith.index_cast %add3A_203 : i32 to index
        %get3A_205 = tpu.vector_load %arg10[%get3A_204] {strides = array<i32>} : memref<8192xi32, #tpu.memory_space<vmem>>, vector<16xi32>,
        %get3A_206 = vector.shape_cast %get3A_205 : vector<16xi32> to vector<16xi32>
        %sub3A_207 = vector.broadcast %add3A_90 : i32 to vector<16xi32>
        %sub3A_208 = arith.subi %get3A_206, %sub3A_207 : vector<16xi32>
        %shift_right_arithmetic3A_209 = arith.constant 31 : i32
        %shift_right_arithmetic3A_210 = vector.broadcast %shift_right_arithmetic3A_209 : i32 to vector<16xi32>
        %shift_right_arithmetic3A_211 = arith.shrsi %sub3A_208, %shift_right_arithmetic3A_210 : vector<16xi32>
        %add3A_212 = arith.addi %add3A_199, %shift_right_arithmetic3A_211 : vector<16xi32>
        %mul3A_213 = arith.constant 128 : i32
        %mul3A_214 = arith.muli %scan3A_147, %mul3A_213 : i32
        %add3A_215 = arith.constant 80 : i32
        %add3A_216 = arith.addi %mul3A_214, %add3A_215 : i32
        %get3A_217 = arith.index_cast %add3A_216 : i32 to index
        %get3A_218 = tpu.vector_load %arg10[%get3A_217] {strides = array<i32>} : memref<8192xi32, #tpu.memory_space<vmem>>, vector<16xi32>,
        %get3A_219 = vector.shape_cast %get3A_218 : vector<16xi32> to vector<16xi32>
        %sub3A_220 = vector.broadcast %add3A_90 : i32 to vector<16xi32>
        %sub3A_221 = arith.subi %get3A_219, %sub3A_220 : vector<16xi32>
        %shift_right_arithmetic3A_222 = arith.constant 31 : i32
        %shift_right_arithmetic3A_223 = vector.broadcast %shift_right_arithmetic3A_222 : i32 to vector<16xi32>
        %shift_right_arithmetic3A_224 = arith.shrsi %sub3A_221, %shift_right_arithmetic3A_223 : vector<16xi32>
        %add3A_225 = arith.addi %add3A_212, %shift_right_arithmetic3A_224 : vector<16xi32>
        %mul3A_226 = arith.constant 128 : i32
        %mul3A_227 = arith.muli %scan3A_147, %mul3A_226 : i32
        %add3A_228 = arith.constant 96 : i32
        %add3A_229 = arith.addi %mul3A_227, %add3A_228 : i32
        %get3A_230 = arith.index_cast %add3A_229 : i32 to index
        %get3A_231 = tpu.vector_load %arg10[%get3A_230] {strides = array<i32>} : memref<8192xi32, #tpu.memory_space<vmem>>, vector<16xi32>,
        %get3A_232 = vector.shape_cast %get3A_231 : vector<16xi32> to vector<16xi32>
        %sub3A_233 = vector.broadcast %add3A_90 : i32 to vector<16xi32>
        %sub3A_234 = arith.subi %get3A_232, %sub3A_233 : vector<16xi32>
        %shift_right_arithmetic3A_235 = arith.constant 31 : i32
        %shift_right_arithmetic3A_236 = vector.broadcast %shift_right_arithmetic3A_235 : i32 to vector<16xi32>
        %shift_right_arithmetic3A_237 = arith.shrsi %sub3A_234, %shift_right_arithmetic3A_236 : vector<16xi32>
        %add3A_238 = arith.addi %add3A_225, %shift_right_arithmetic3A_237 : vector<16xi32>
        %mul3A_239 = arith.constant 128 : i32
        %mul3A_240 = arith.muli %scan3A_147, %mul3A_239 : i32
        %add3A_241 = arith.constant 112 : i32
        %add3A_242 = arith.addi %mul3A_240, %add3A_241 : i32
        %get3A_243 = arith.index_cast %add3A_242 : i32 to index
        %get3A_244 = tpu.vector_load %arg10[%get3A_243] {strides = array<i32>} : memref<8192xi32, #tpu.memory_space<vmem>>, vector<16xi32>,
        %get3A_245 = vector.shape_cast %get3A_244 : vector<16xi32> to vector<16xi32>
        %sub3A_246 = vector.broadcast %add3A_90 : i32 to vector<16xi32>
        %sub3A_247 = arith.subi %get3A_245, %sub3A_246 : vector<16xi32>
        %shift_right_arithmetic3A_248 = arith.constant 31 : i32
        %shift_right_arithmetic3A_249 = vector.broadcast %shift_right_arithmetic3A_248 : i32 to vector<16xi32>
        %shift_right_arithmetic3A_250 = arith.shrsi %sub3A_247, %shift_right_arithmetic3A_249 : vector<16xi32>
        %add3A_251 = arith.addi %add3A_238, %shift_right_arithmetic3A_250 : vector<16xi32>
        scf.yield %add3A_251 : vector<16xi32>
      }
      %scan3A_97 = arith.constant 64 : i32
      %slice3A_98 = vector.extract_strided_slice %scan3A_96 {offsets = [0], sizes = [1], strides = [1]} : vector<16xi32> to vector<1xi32>
      %squeeze3A_99 = vector.extract %slice3A_98[0] : i32 from vector<1xi32>
      %add3A_100 = arith.constant 8192 : i32
      %add3A_101 = arith.addi %add3A_100, %squeeze3A_99 : i32
      %slice3A_102 = vector.extract_strided_slice %scan3A_96 {offsets = [1], sizes = [1], strides = [1]} : vector<16xi32> to vector<1xi32>
      %squeeze3A_103 = vector.extract %slice3A_102[0] : i32 from vector<1xi32>
      %add3A_104 = arith.addi %add3A_101, %squeeze3A_103 : i32
      %slice3A_105 = vector.extract_strided_slice %scan3A_96 {offsets = [2], sizes = [1], strides = [1]} : vector<16xi32> to vector<1xi32>
      %squeeze3A_106 = vector.extract %slice3A_105[0] : i32 from vector<1xi32>
      %add3A_107 = arith.addi %add3A_104, %squeeze3A_106 : i32
      %slice3A_108 = vector.extract_strided_slice %scan3A_96 {offsets = [3], sizes = [1], strides = [1]} : vector<16xi32> to vector<1xi32>
      %squeeze3A_109 = vector.extract %slice3A_108[0] : i32 from vector<1xi32>
      %add3A_110 = arith.addi %add3A_107, %squeeze3A_109 : i32
      %slice3A_111 = vector.extract_strided_slice %scan3A_96 {offsets = [4], sizes = [1], strides = [1]} : vector<16xi32> to vector<1xi32>
      %squeeze3A_112 = vector.extract %slice3A_111[0] : i32 from vector<1xi32>
      %add3A_113 = arith.addi %add3A_110, %squeeze3A_112 : i32
      %slice3A_114 = vector.extract_strided_slice %scan3A_96 {offsets = [5], sizes = [1], strides = [1]} : vector<16xi32> to vector<1xi32>
      %squeeze3A_115 = vector.extract %slice3A_114[0] : i32 from vector<1xi32>
      %add3A_116 = arith.addi %add3A_113, %squeeze3A_115 : i32
      %slice3A_117 = vector.extract_strided_slice %scan3A_96 {offsets = [6], sizes = [1], strides = [1]} : vector<16xi32> to vector<1xi32>
      %squeeze3A_118 = vector.extract %slice3A_117[0] : i32 from vector<1xi32>
      %add3A_119 = arith.addi %add3A_116, %squeeze3A_118 : i32
      %slice3A_120 = vector.extract_strided_slice %scan3A_96 {offsets = [7], sizes = [1], strides = [1]} : vector<16xi32> to vector<1xi32>
      %squeeze3A_121 = vector.extract %slice3A_120[0] : i32 from vector<1xi32>
      %add3A_122 = arith.addi %add3A_119, %squeeze3A_121 : i32
      %slice3A_123 = vector.extract_strided_slice %scan3A_96 {offsets = [8], sizes = [1], strides = [1]} : vector<16xi32> to vector<1xi32>
      %squeeze3A_124 = vector.extract %slice3A_123[0] : i32 from vector<1xi32>
      %add3A_125 = arith.addi %add3A_122, %squeeze3A_124 : i32
      %slice3A_126 = vector.extract_strided_slice %scan3A_96 {offsets = [9], sizes = [1], strides = [1]} : vector<16xi32> to vector<1xi32>
      %squeeze3A_127 = vector.extract %slice3A_126[0] : i32 from vector<1xi32>
      %add3A_128 = arith.addi %add3A_125, %squeeze3A_127 : i32
      %slice3A_129 = vector.extract_strided_slice %scan3A_96 {offsets = [10], sizes = [1], strides = [1]} : vector<16xi32> to vector<1xi32>
      %squeeze3A_130 = vector.extract %slice3A_129[0] : i32 from vector<1xi32>
      %add3A_131 = arith.addi %add3A_128, %squeeze3A_130 : i32
      %slice3A_132 = vector.extract_strided_slice %scan3A_96 {offsets = [11], sizes = [1], strides = [1]} : vector<16xi32> to vector<1xi32>
      %squeeze3A_133 = vector.extract %slice3A_132[0] : i32 from vector<1xi32>
      %add3A_134 = arith.addi %add3A_131, %squeeze3A_133 : i32
      %slice3A_135 = vector.extract_strided_slice %scan3A_96 {offsets = [12], sizes = [1], strides = [1]} : vector<16xi32> to vector<1xi32>
      %squeeze3A_136 = vector.extract %slice3A_135[0] : i32 from vector<1xi32>
      %add3A_137 = arith.addi %add3A_134, %squeeze3A_136 : i32
      %slice3A_138 = vector.extract_strided_slice %scan3A_96 {offsets = [13], sizes = [1], strides = [1]} : vector<16xi32> to vector<1xi32>
      %squeeze3A_139 = vector.extract %slice3A_138[0] : i32 from vector<1xi32>
      %add3A_140 = arith.addi %add3A_137, %squeeze3A_139 : i32
      %slice3A_141 = vector.extract_strided_slice %scan3A_96 {offsets = [14], sizes = [1], strides = [1]} : vector<16xi32> to vector<1xi32>
      %squeeze3A_142 = vector.extract %slice3A_141[0] : i32 from vector<1xi32>
      %add3A_143 = arith.addi %add3A_140, %squeeze3A_142 : i32
      %slice3A_144 = vector.extract_strided_slice %scan3A_96 {offsets = [15], sizes = [1], strides = [1]} : vector<16xi32> to vector<1xi32>
      %squeeze3A_145 = vector.extract %slice3A_144[0] : i32 from vector<1xi32>
      %add3A_146 = arith.addi %add3A_143, %squeeze3A_145 : i32
      %ge3A = arith.cmpi sge, %add3A_146, %squeeze3A : i32
      %select_n3A = arith.select %ge3A, %add3A_90, %scan3A_86 : i32
      scf.yield %select_n3A : i32
    }
    %scan3A_57 = arith.constant 30 : i32
    %scan3A_58 = arith.constant 0 : i32
    %scan3A_59 = arith.constant 0 : i32
    %scan3A_60 = arith.constant 64 : i32
    %scan3A_61 = arith.addi %scan3A_59, %scan3A_60 : i32
    %scan3A_62 = arith.constant 1 : i32
    %scan3A_63 = scf.for %scan3A_85 = %scan3A_59 to %scan3A_61 step %scan3A_62 iter_args(%scan3A_86 = %scan3A_58) -> (i32)  : i32 {
      %mul3A_87 = arith.constant 128 : i32
      %mul3A_88 = arith.muli %scan3A_85, %mul3A_87 : i32
      %add3A_89 = arith.constant 0 : i32
      %add3A_90 = arith.addi %mul3A_88, %add3A_89 : i32
      %get3A_91 = arith.index_cast %add3A_90 : i32 to index
      %get3A_92 = tpu.vector_load %arg10[%get3A_91] {strides = array<i32>} : memref<8192xi32, #tpu.memory_space<vmem>>, vector<16xi32>,
      %get3A_93 = vector.shape_cast %get3A_92 : vector<16xi32> to vector<16xi32>
      %ge3A = vector.broadcast %scan3A_56 : i32 to vector<16xi32>
      %ge3A_94 = arith.cmpi sge, %get3A_93, %ge3A : vector<16xi32>
      %jit3A = arith.constant 1 : i32
      %jit3A_95 = arith.constant 0 : i32
      %broadcast_in_dim3A = vector.broadcast %jit3A : i32 to vector<16xi32>
      %broadcast_in_dim3A_96 = vector.broadcast %jit3A_95 : i32 to vector<16xi32>
      %select_n3A = arith.select %ge3A_94, %broadcast_in_dim3A, %broadcast_in_dim3A_96 : vector<16xi1>, vector<16xi32>
      %swap3A = arith.index_cast %add3A_90 : i32 to index
      %swap3A_97 = tpu.vector_load %arg11[%swap3A] {strides = array<i32>} : memref<8192xi32, #tpu.memory_space<vmem>>, vector<16xi32>,
      %swap3A_98 = vector.shape_cast %swap3A_97 : vector<16xi32> to vector<16xi32>
      %swap3A_99 = vector.shape_cast %select_n3A : vector<16xi32> to vector<16xi32>
      tpu.vector_store %arg11[%swap3A], %swap3A_99 {strides = array<i32>} : memref<8192xi32, #tpu.memory_space<vmem>>, vector<16xi32>,
      %mul3A_100 = arith.constant 128 : i32
      %mul3A_101 = arith.muli %scan3A_85, %mul3A_100 : i32
      %add3A_102 = arith.constant 16 : i32
      %add3A_103 = arith.addi %mul3A_101, %add3A_102 : i32
      %get3A_104 = arith.index_cast %add3A_103 : i32 to index
      %get3A_105 = tpu.vector_load %arg10[%get3A_104] {strides = array<i32>} : memref<8192xi32, #tpu.memory_space<vmem>>, vector<16xi32>,
      %get3A_106 = vector.shape_cast %get3A_105 : vector<16xi32> to vector<16xi32>
      %ge3A_107 = vector.broadcast %scan3A_56 : i32 to vector<16xi32>
      %ge3A_108 = arith.cmpi sge, %get3A_106, %ge3A_107 : vector<16xi32>
      %jit3A_109 = arith.constant 1 : i32
      %jit3A_110 = arith.constant 0 : i32
      %broadcast_in_dim3A_111 = vector.broadcast %jit3A_109 : i32 to vector<16xi32>
      %broadcast_in_dim3A_112 = vector.broadcast %jit3A_110 : i32 to vector<16xi32>
      %select_n3A_113 = arith.select %ge3A_108, %broadcast_in_dim3A_111, %broadcast_in_dim3A_112 : vector<16xi1>, vector<16xi32>
      %swap3A_114 = arith.index_cast %add3A_103 : i32 to index
      %swap3A_115 = tpu.vector_load %arg11[%swap3A_114] {strides = array<i32>} : memref<8192xi32, #tpu.memory_space<vmem>>, vector<16xi32>,
      %swap3A_116 = vector.shape_cast %swap3A_115 : vector<16xi32> to vector<16xi32>
      %swap3A_117 = vector.shape_cast %select_n3A_113 : vector<16xi32> to vector<16xi32>
      tpu.vector_store %arg11[%swap3A_114], %swap3A_117 {strides = array<i32>} : memref<8192xi32, #tpu.memory_space<vmem>>, vector<16xi32>,
      %mul3A_118 = arith.constant 128 : i32
      %mul3A_119 = arith.muli %scan3A_85, %mul3A_118 : i32
      %add3A_120 = arith.constant 32 : i32
      %add3A_121 = arith.addi %mul3A_119, %add3A_120 : i32
      %get3A_122 = arith.index_cast %add3A_121 : i32 to index
      %get3A_123 = tpu.vector_load %arg10[%get3A_122] {strides = array<i32>} : memref<8192xi32, #tpu.memory_space<vmem>>, vector<16xi32>,
      %get3A_124 = vector.shape_cast %get3A_123 : vector<16xi32> to vector<16xi32>
      %ge3A_125 = vector.broadcast %scan3A_56 : i32 to vector<16xi32>
      %ge3A_126 = arith.cmpi sge, %get3A_124, %ge3A_125 : vector<16xi32>
      %jit3A_127 = arith.constant 1 : i32
      %jit3A_128 = arith.constant 0 : i32
      %broadcast_in_dim3A_129 = vector.broadcast %jit3A_127 : i32 to vector<16xi32>
      %broadcast_in_dim3A_130 = vector.broadcast %jit3A_128 : i32 to vector<16xi32>
      %select_n3A_131 = arith.select %ge3A_126, %broadcast_in_dim3A_129, %broadcast_in_dim3A_130 : vector<16xi1>, vector<16xi32>
      %swap3A_132 = arith.index_cast %add3A_121 : i32 to index
      %swap3A_133 = tpu.vector_load %arg11[%swap3A_132] {strides = array<i32>} : memref<8192xi32, #tpu.memory_space<vmem>>, vector<16xi32>,
      %swap3A_134 = vector.shape_cast %swap3A_133 : vector<16xi32> to vector<16xi32>
      %swap3A_135 = vector.shape_cast %select_n3A_131 : vector<16xi32> to vector<16xi32>
      tpu.vector_store %arg11[%swap3A_132], %swap3A_135 {strides = array<i32>} : memref<8192xi32, #tpu.memory_space<vmem>>, vector<16xi32>,
      %mul3A_136 = arith.constant 128 : i32
      %mul3A_137 = arith.muli %scan3A_85, %mul3A_136 : i32
      %add3A_138 = arith.constant 48 : i32
      %add3A_139 = arith.addi %mul3A_137, %add3A_138 : i32
      %get3A_140 = arith.index_cast %add3A_139 : i32 to index
      %get3A_141 = tpu.vector_load %arg10[%get3A_140] {strides = array<i32>} : memref<8192xi32, #tpu.memory_space<vmem>>, vector<16xi32>,
      %get3A_142 = vector.shape_cast %get3A_141 : vector<16xi32> to vector<16xi32>
      %ge3A_143 = vector.broadcast %scan3A_56 : i32 to vector<16xi32>
      %ge3A_144 = arith.cmpi sge, %get3A_142, %ge3A_143 : vector<16xi32>
      %jit3A_145 = arith.constant 1 : i32
      %jit3A_146 = arith.constant 0 : i32
      %broadcast_in_dim3A_147 = vector.broadcast %jit3A_145 : i32 to vector<16xi32>
      %broadcast_in_dim3A_148 = vector.broadcast %jit3A_146 : i32 to vector<16xi32>
      %select_n3A_149 = arith.select %ge3A_144, %broadcast_in_dim3A_147, %broadcast_in_dim3A_148 : vector<16xi1>, vector<16xi32>
      %swap3A_150 = arith.index_cast %add3A_139 : i32 to index
      %swap3A_151 = tpu.vector_load %arg11[%swap3A_150] {strides = array<i32>} : memref<8192xi32, #tpu.memory_space<vmem>>, vector<16xi32>,
      %swap3A_152 = vector.shape_cast %swap3A_151 : vector<16xi32> to vector<16xi32>
      %swap3A_153 = vector.shape_cast %select_n3A_149 : vector<16xi32> to vector<16xi32>
      tpu.vector_store %arg11[%swap3A_150], %swap3A_153 {strides = array<i32>} : memref<8192xi32, #tpu.memory_space<vmem>>, vector<16xi32>,
      %mul3A_154 = arith.constant 128 : i32
      %mul3A_155 = arith.muli %scan3A_85, %mul3A_154 : i32
      %add3A_156 = arith.constant 64 : i32
      %add3A_157 = arith.addi %mul3A_155, %add3A_156 : i32
      %get3A_158 = arith.index_cast %add3A_157 : i32 to index
      %get3A_159 = tpu.vector_load %arg10[%get3A_158] {strides = array<i32>} : memref<8192xi32, #tpu.memory_space<vmem>>, vector<16xi32>,
      %get3A_160 = vector.shape_cast %get3A_159 : vector<16xi32> to vector<16xi32>
      %ge3A_161 = vector.broadcast %scan3A_56 : i32 to vector<16xi32>
      %ge3A_162 = arith.cmpi sge, %get3A_160, %ge3A_161 : vector<16xi32>
      %jit3A_163 = arith.constant 1 : i32
      %jit3A_164 = arith.constant 0 : i32
      %broadcast_in_dim3A_165 = vector.broadcast %jit3A_163 : i32 to vector<16xi32>
      %broadcast_in_dim3A_166 = vector.broadcast %jit3A_164 : i32 to vector<16xi32>
      %select_n3A_167 = arith.select %ge3A_162, %broadcast_in_dim3A_165, %broadcast_in_dim3A_166 : vector<16xi1>, vector<16xi32>
      %swap3A_168 = arith.index_cast %add3A_157 : i32 to index
      %swap3A_169 = tpu.vector_load %arg11[%swap3A_168] {strides = array<i32>} : memref<8192xi32, #tpu.memory_space<vmem>>, vector<16xi32>,
      %swap3A_170 = vector.shape_cast %swap3A_169 : vector<16xi32> to vector<16xi32>
      %swap3A_171 = vector.shape_cast %select_n3A_167 : vector<16xi32> to vector<16xi32>
      tpu.vector_store %arg11[%swap3A_168], %swap3A_171 {strides = array<i32>} : memref<8192xi32, #tpu.memory_space<vmem>>, vector<16xi32>,
      %mul3A_172 = arith.constant 128 : i32
      %mul3A_173 = arith.muli %scan3A_85, %mul3A_172 : i32
      %add3A_174 = arith.constant 80 : i32
      %add3A_175 = arith.addi %mul3A_173, %add3A_174 : i32
      %get3A_176 = arith.index_cast %add3A_175 : i32 to index
      %get3A_177 = tpu.vector_load %arg10[%get3A_176] {strides = array<i32>} : memref<8192xi32, #tpu.memory_space<vmem>>, vector<16xi32>,
      %get3A_178 = vector.shape_cast %get3A_177 : vector<16xi32> to vector<16xi32>
      %ge3A_179 = vector.broadcast %scan3A_56 : i32 to vector<16xi32>
      %ge3A_180 = arith.cmpi sge, %get3A_178, %ge3A_179 : vector<16xi32>
      %jit3A_181 = arith.constant 1 : i32
      %jit3A_182 = arith.constant 0 : i32
      %broadcast_in_dim3A_183 = vector.broadcast %jit3A_181 : i32 to vector<16xi32>
      %broadcast_in_dim3A_184 = vector.broadcast %jit3A_182 : i32 to vector<16xi32>
      %select_n3A_185 = arith.select %ge3A_180, %broadcast_in_dim3A_183, %broadcast_in_dim3A_184 : vector<16xi1>, vector<16xi32>
      %swap3A_186 = arith.index_cast %add3A_175 : i32 to index
      %swap3A_187 = tpu.vector_load %arg11[%swap3A_186] {strides = array<i32>} : memref<8192xi32, #tpu.memory_space<vmem>>, vector<16xi32>,
      %swap3A_188 = vector.shape_cast %swap3A_187 : vector<16xi32> to vector<16xi32>
      %swap3A_189 = vector.shape_cast %select_n3A_185 : vector<16xi32> to vector<16xi32>
      tpu.vector_store %arg11[%swap3A_186], %swap3A_189 {strides = array<i32>} : memref<8192xi32, #tpu.memory_space<vmem>>, vector<16xi32>,
      %mul3A_190 = arith.constant 128 : i32
      %mul3A_191 = arith.muli %scan3A_85, %mul3A_190 : i32
      %add3A_192 = arith.constant 96 : i32
      %add3A_193 = arith.addi %mul3A_191, %add3A_192 : i32
      %get3A_194 = arith.index_cast %add3A_193 : i32 to index
      %get3A_195 = tpu.vector_load %arg10[%get3A_194] {strides = array<i32>} : memref<8192xi32, #tpu.memory_space<vmem>>, vector<16xi32>,
      %get3A_196 = vector.shape_cast %get3A_195 : vector<16xi32> to vector<16xi32>
      %ge3A_197 = vector.broadcast %scan3A_56 : i32 to vector<16xi32>
      %ge3A_198 = arith.cmpi sge, %get3A_196, %ge3A_197 : vector<16xi32>
      %jit3A_199 = arith.constant 1 : i32
      %jit3A_200 = arith.constant 0 : i32
      %broadcast_in_dim3A_201 = vector.broadcast %jit3A_199 : i32 to vector<16xi32>
      %broadcast_in_dim3A_202 = vector.broadcast %jit3A_200 : i32 to vector<16xi32>
      %select_n3A_203 = arith.select %ge3A_198, %broadcast_in_dim3A_201, %broadcast_in_dim3A_202 : vector<16xi1>, vector<16xi32>
      %swap3A_204 = arith.index_cast %add3A_193 : i32 to index
      %swap3A_205 = tpu.vector_load %arg11[%swap3A_204] {strides = array<i32>} : memref<8192xi32, #tpu.memory_space<vmem>>, vector<16xi32>,
      %swap3A_206 = vector.shape_cast %swap3A_205 : vector<16xi32> to vector<16xi32>
      %swap3A_207 = vector.shape_cast %select_n3A_203 : vector<16xi32> to vector<16xi32>
      tpu.vector_store %arg11[%swap3A_204], %swap3A_207 {strides = array<i32>} : memref<8192xi32, #tpu.memory_space<vmem>>, vector<16xi32>,
      %mul3A_208 = arith.constant 128 : i32
      %mul3A_209 = arith.muli %scan3A_85, %mul3A_208 : i32
      %add3A_210 = arith.constant 112 : i32
      %add3A_211 = arith.addi %mul3A_209, %add3A_210 : i32
      %get3A_212 = arith.index_cast %add3A_211 : i32 to index
      %get3A_213 = tpu.vector_load %arg10[%get3A_212] {strides = array<i32>} : memref<8192xi32, #tpu.memory_space<vmem>>, vector<16xi32>,
      %get3A_214 = vector.shape_cast %get3A_213 : vector<16xi32> to vector<16xi32>
      %ge3A_215 = vector.broadcast %scan3A_56 : i32 to vector<16xi32>
      %ge3A_216 = arith.cmpi sge, %get3A_214, %ge3A_215 : vector<16xi32>
      %jit3A_217 = arith.constant 1 : i32
      %jit3A_218 = arith.constant 0 : i32
      %broadcast_in_dim3A_219 = vector.broadcast %jit3A_217 : i32 to vector<16xi32>
      %broadcast_in_dim3A_220 = vector.broadcast %jit3A_218 : i32 to vector<16xi32>
      %select_n3A_221 = arith.select %ge3A_216, %broadcast_in_dim3A_219, %broadcast_in_dim3A_220 : vector<16xi1>, vector<16xi32>
      %swap3A_222 = arith.index_cast %add3A_211 : i32 to index
      %swap3A_223 = tpu.vector_load %arg11[%swap3A_222] {strides = array<i32>} : memref<8192xi32, #tpu.memory_space<vmem>>, vector<16xi32>,
      %swap3A_224 = vector.shape_cast %swap3A_223 : vector<16xi32> to vector<16xi32>
      %swap3A_225 = vector.shape_cast %select_n3A_221 : vector<16xi32> to vector<16xi32>
      tpu.vector_store %arg11[%swap3A_222], %swap3A_225 {strides = array<i32>} : memref<8192xi32, #tpu.memory_space<vmem>>, vector<16xi32>,
      %scan3A_226 = arith.constant 0 : i32
      scf.yield %scan3A_226 : i32
    }
    %scan3A_64 = arith.constant 64 : i32
    %sub3A_65 = arith.constant 1 : i32
    %sub3A_66 = arith.subi %sub3A_65, %sub3A_2 : i32
    %mul3A_67 = arith.constant 16 : i32
    %mul3A_68 = arith.muli %sub3A_66, %mul3A_67 : i32
    %add3A_69 = arith.addi %shift_right_logical3A_3, %mul3A_68 : i32
    %dma_start3A_70 = arith.constant 0 : i32
    %dma_start3A_71 = tpu.memref_slice %arg6[%add3A_69, %dma_start3A_70] : memref<32x8192xi32, #tpu.memory_space<hbm>> -> memref<1x8192xi32, #tpu.memory_space<hbm>>
    %dma_start3A_72 = tpu.memref_squeeze %dma_start3A_71 : memref<1x8192xi32, #tpu.memory_space<hbm>> -> memref<8192xi32, #tpu.memory_space<hbm>>
    %dma_start3A_73 = arith.constant 0 : i32
    %dma_start3A_74 = tpu.memref_slice %arg6[%add3A_69, %dma_start3A_73] : memref<32x8192xi32, #tpu.memory_space<hbm>> -> memref<1x8192xi32, #tpu.memory_space<hbm>>
    %dma_start3A_75 = tpu.memref_squeeze %dma_start3A_74 : memref<1x8192xi32, #tpu.memory_space<hbm>> -> memref<8192xi32, #tpu.memory_space<hbm>>
    tpu.enqueue_dma source(%arg11 : memref<8192xi32, #tpu.memory_space<vmem>>) target(%dma_start3A_75 : memref<8192xi32, #tpu.memory_space<hbm>>) target_semaphore(%arg17 : memref<!tpu.dma_semaphore, #tpu.memory_space<semaphore_mem>>)
    %dma_wait3A_76 = arith.constant 0 : i32
    %dma_wait3A_77 = tpu.memref_slice %arg6[%add3A_69, %dma_wait3A_76] : memref<32x8192xi32, #tpu.memory_space<hbm>> -> memref<1x8192xi32, #tpu.memory_space<hbm>>
    %dma_wait3A_78 = tpu.memref_squeeze %dma_wait3A_77 : memref<1x8192xi32, #tpu.memory_space<hbm>> -> memref<8192xi32, #tpu.memory_space<hbm>>
    %dma_wait3A_79 = arith.constant 0 : i32
    %dma_wait3A_80 = tpu.memref_slice %arg6[%add3A_69, %dma_wait3A_79] : memref<32x8192xi32, #tpu.memory_space<hbm>> -> memref<1x8192xi32, #tpu.memory_space<hbm>>
    %dma_wait3A_81 = tpu.memref_squeeze %dma_wait3A_80 : memref<1x8192xi32, #tpu.memory_space<hbm>> -> memref<8192xi32, #tpu.memory_space<hbm>>
    tpu.wait_dma2 semaphore(%arg17 : memref<!tpu.dma_semaphore, #tpu.memory_space<semaphore_mem>>) src(%arg11 : memref<8192xi32, #tpu.memory_space<vmem>>) dst(%dma_wait3A_81 : memref<8192xi32, #tpu.memory_space<hbm>>)
    %eq3A = arith.constant 1 : i32
    %eq3A_82 = arith.cmpi eq, %sub3A_2, %eq3A : i32
    %convert_element_type3A_83 = arith.extui %eq3A_82 : i1 to i32
    %cond3A = arith.constant 0 : i32
    %cond3A_84 = arith.cmpi ne, %convert_element_type3A_83, %cond3A : i32
    scf.if %cond3A_84 {
      %mul3A_85 = arith.constant 16 : i32
      %mul3A_86 = arith.muli %add3A_5, %mul3A_85 : i32
      %get3A_87 = arith.index_cast %mul3A_86 : i32 to index
      %get3A_88 = tpu.vector_load %arg14[%get3A_87] {strides = array<i32>} : memref<1024xf32, #tpu.memory_space<vmem>>, vector<16xf32>,
      %get3A_89 = vector.shape_cast %get3A_88 : vector<16xf32> to vector<16xf32>
      %scan3A_90 = arith.constant 0 : i32
      %scan3A_91 = arith.constant 0 : i32
      %scan3A_92 = arith.constant 64 : i32
      %scan3A_93 = arith.addi %scan3A_91, %scan3A_92 : i32
      %scan3A_94 = arith.constant 1 : i32
      %scan3A_95 = scf.for %scan3A_97 = %scan3A_91 to %scan3A_93 step %scan3A_94 iter_args(%scan3A_98 = %scan3A_90) -> (i32)  : i32 {
        %mul3A_99 = arith.constant 128 : i32
        %mul3A_100 = arith.muli %scan3A_97, %mul3A_99 : i32
        %add3A_101 = arith.constant 0 : i32
        %add3A_102 = arith.addi %mul3A_100, %add3A_101 : i32
        %swap3A = arith.index_cast %add3A_102 : i32 to index
        %swap3A_103 = tpu.vector_load %arg12[%swap3A] {strides = array<i32>} : memref<8192xf32, #tpu.memory_space<vmem>>, vector<16xf32>,
        %swap3A_104 = vector.shape_cast %swap3A_103 : vector<16xf32> to vector<16xf32>
        %swap3A_105 = vector.shape_cast %get3A_89 : vector<16xf32> to vector<16xf32>
        tpu.vector_store %arg12[%swap3A], %swap3A_105 {strides = array<i32>} : memref<8192xf32, #tpu.memory_space<vmem>>, vector<16xf32>,
        %mul3A_106 = arith.constant 128 : i32
        %mul3A_107 = arith.muli %scan3A_97, %mul3A_106 : i32
        %add3A_108 = arith.constant 16 : i32
        %add3A_109 = arith.addi %mul3A_107, %add3A_108 : i32
        %swap3A_110 = arith.index_cast %add3A_109 : i32 to index
        %swap3A_111 = tpu.vector_load %arg12[%swap3A_110] {strides = array<i32>} : memref<8192xf32, #tpu.memory_space<vmem>>, vector<16xf32>,
        %swap3A_112 = vector.shape_cast %swap3A_111 : vector<16xf32> to vector<16xf32>
        %swap3A_113 = vector.shape_cast %get3A_89 : vector<16xf32> to vector<16xf32>
        tpu.vector_store %arg12[%swap3A_110], %swap3A_113 {strides = array<i32>} : memref<8192xf32, #tpu.memory_space<vmem>>, vector<16xf32>,
        %mul3A_114 = arith.constant 128 : i32
        %mul3A_115 = arith.muli %scan3A_97, %mul3A_114 : i32
        %add3A_116 = arith.constant 32 : i32
        %add3A_117 = arith.addi %mul3A_115, %add3A_116 : i32
        %swap3A_118 = arith.index_cast %add3A_117 : i32 to index
        %swap3A_119 = tpu.vector_load %arg12[%swap3A_118] {strides = array<i32>} : memref<8192xf32, #tpu.memory_space<vmem>>, vector<16xf32>,
        %swap3A_120 = vector.shape_cast %swap3A_119 : vector<16xf32> to vector<16xf32>
        %swap3A_121 = vector.shape_cast %get3A_89 : vector<16xf32> to vector<16xf32>
        tpu.vector_store %arg12[%swap3A_118], %swap3A_121 {strides = array<i32>} : memref<8192xf32, #tpu.memory_space<vmem>>, vector<16xf32>,
        %mul3A_122 = arith.constant 128 : i32
        %mul3A_123 = arith.muli %scan3A_97, %mul3A_122 : i32
        %add3A_124 = arith.constant 48 : i32
        %add3A_125 = arith.addi %mul3A_123, %add3A_124 : i32
        %swap3A_126 = arith.index_cast %add3A_125 : i32 to index
        %swap3A_127 = tpu.vector_load %arg12[%swap3A_126] {strides = array<i32>} : memref<8192xf32, #tpu.memory_space<vmem>>, vector<16xf32>,
        %swap3A_128 = vector.shape_cast %swap3A_127 : vector<16xf32> to vector<16xf32>
        %swap3A_129 = vector.shape_cast %get3A_89 : vector<16xf32> to vector<16xf32>
        tpu.vector_store %arg12[%swap3A_126], %swap3A_129 {strides = array<i32>} : memref<8192xf32, #tpu.memory_space<vmem>>, vector<16xf32>,
        %mul3A_130 = arith.constant 128 : i32
        %mul3A_131 = arith.muli %scan3A_97, %mul3A_130 : i32
        %add3A_132 = arith.constant 64 : i32
        %add3A_133 = arith.addi %mul3A_131, %add3A_132 : i32
        %swap3A_134 = arith.index_cast %add3A_133 : i32 to index
        %swap3A_135 = tpu.vector_load %arg12[%swap3A_134] {strides = array<i32>} : memref<8192xf32, #tpu.memory_space<vmem>>, vector<16xf32>,
        %swap3A_136 = vector.shape_cast %swap3A_135 : vector<16xf32> to vector<16xf32>
        %swap3A_137 = vector.shape_cast %get3A_89 : vector<16xf32> to vector<16xf32>
        tpu.vector_store %arg12[%swap3A_134], %swap3A_137 {strides = array<i32>} : memref<8192xf32, #tpu.memory_space<vmem>>, vector<16xf32>,
        %mul3A_138 = arith.constant 128 : i32
        %mul3A_139 = arith.muli %scan3A_97, %mul3A_138 : i32
        %add3A_140 = arith.constant 80 : i32
        %add3A_141 = arith.addi %mul3A_139, %add3A_140 : i32
        %swap3A_142 = arith.index_cast %add3A_141 : i32 to index
        %swap3A_143 = tpu.vector_load %arg12[%swap3A_142] {strides = array<i32>} : memref<8192xf32, #tpu.memory_space<vmem>>, vector<16xf32>,
        %swap3A_144 = vector.shape_cast %swap3A_143 : vector<16xf32> to vector<16xf32>
        %swap3A_145 = vector.shape_cast %get3A_89 : vector<16xf32> to vector<16xf32>
        tpu.vector_store %arg12[%swap3A_142], %swap3A_145 {strides = array<i32>} : memref<8192xf32, #tpu.memory_space<vmem>>, vector<16xf32>,
        %mul3A_146 = arith.constant 128 : i32
        %mul3A_147 = arith.muli %scan3A_97, %mul3A_146 : i32
        %add3A_148 = arith.constant 96 : i32
        %add3A_149 = arith.addi %mul3A_147, %add3A_148 : i32
        %swap3A_150 = arith.index_cast %add3A_149 : i32 to index
        %swap3A_151 = tpu.vector_load %arg12[%swap3A_150] {strides = array<i32>} : memref<8192xf32, #tpu.memory_space<vmem>>, vector<16xf32>,
        %swap3A_152 = vector.shape_cast %swap3A_151 : vector<16xf32> to vector<16xf32>
        %swap3A_153 = vector.shape_cast %get3A_89 : vector<16xf32> to vector<16xf32>
        tpu.vector_store %arg12[%swap3A_150], %swap3A_153 {strides = array<i32>} : memref<8192xf32, #tpu.memory_space<vmem>>, vector<16xf32>,
        %mul3A_154 = arith.constant 128 : i32
        %mul3A_155 = arith.muli %scan3A_97, %mul3A_154 : i32
        %add3A_156 = arith.constant 112 : i32
        %add3A_157 = arith.addi %mul3A_155, %add3A_156 : i32
        %swap3A_158 = arith.index_cast %add3A_157 : i32 to index
        %swap3A_159 = tpu.vector_load %arg12[%swap3A_158] {strides = array<i32>} : memref<8192xf32, #tpu.memory_space<vmem>>, vector<16xf32>,
        %swap3A_160 = vector.shape_cast %swap3A_159 : vector<16xf32> to vector<16xf32>
        %swap3A_161 = vector.shape_cast %get3A_89 : vector<16xf32> to vector<16xf32>
        tpu.vector_store %arg12[%swap3A_158], %swap3A_161 {strides = array<i32>} : memref<8192xf32, #tpu.memory_space<vmem>>, vector<16xf32>,
        %scan3A_162 = arith.constant 0 : i32
        scf.yield %scan3A_162 : i32
      }
      %scan3A_96 = arith.constant 64 : i32
      "tpu.region"() ({
        %run_scoped3A = tpu.sem_alloc : memref<!tpu.dma_semaphore, #tpu.memory_space<semaphore_mem>>
        %dma_start3A_97 = arith.constant 0 : i32
        %dma_start3A_98 = tpu.memref_slice %arg7[%shift_right_logical3A_3, %dma_start3A_97] : memref<16x8192xf32, #tpu.memory_space<hbm>> -> memref<1x8192xf32, #tpu.memory_space<hbm>>
        %dma_start3A_99 = tpu.memref_squeeze %dma_start3A_98 : memref<1x8192xf32, #tpu.memory_space<hbm>> -> memref<8192xf32, #tpu.memory_space<hbm>>
        %dma_start3A_100 = arith.constant 0 : i32
        %dma_start3A_101 = tpu.memref_slice %arg7[%shift_right_logical3A_3, %dma_start3A_100] : memref<16x8192xf32, #tpu.memory_space<hbm>> -> memref<1x8192xf32, #tpu.memory_space<hbm>>
        %dma_start3A_102 = tpu.memref_squeeze %dma_start3A_101 : memref<1x8192xf32, #tpu.memory_space<hbm>> -> memref<8192xf32, #tpu.memory_space<hbm>>
        tpu.enqueue_dma source(%arg12 : memref<8192xf32, #tpu.memory_space<vmem>>) target(%dma_start3A_102 : memref<8192xf32, #tpu.memory_space<hbm>>) target_semaphore(%run_scoped3A : memref<!tpu.dma_semaphore, #tpu.memory_space<semaphore_mem>>)
        %dma_wait3A_103 = arith.constant 0 : i32
        %dma_wait3A_104 = tpu.memref_slice %arg7[%shift_right_logical3A_3, %dma_wait3A_103] : memref<16x8192xf32, #tpu.memory_space<hbm>> -> memref<1x8192xf32, #tpu.memory_space<hbm>>
        %dma_wait3A_105 = tpu.memref_squeeze %dma_wait3A_104 : memref<1x8192xf32, #tpu.memory_space<hbm>> -> memref<8192xf32, #tpu.memory_space<hbm>>
        %dma_wait3A_106 = arith.constant 0 : i32
        %dma_wait3A_107 = tpu.memref_slice %arg7[%shift_right_logical3A_3, %dma_wait3A_106] : memref<16x8192xf32, #tpu.memory_space<hbm>> -> memref<1x8192xf32, #tpu.memory_space<hbm>>
        %dma_wait3A_108 = tpu.memref_squeeze %dma_wait3A_107 : memref<1x8192xf32, #tpu.memory_space<hbm>> -> memref<8192xf32, #tpu.memory_space<hbm>>
        tpu.wait_dma2 semaphore(%run_scoped3A : memref<!tpu.dma_semaphore, #tpu.memory_space<semaphore_mem>>) src(%arg12 : memref<8192xf32, #tpu.memory_space<vmem>>) dst(%dma_wait3A_108 : memref<8192xf32, #tpu.memory_space<hbm>>)
        tpu.yield
      }) : () -> ()
    } else {
    }
    return
  }
}

module attributes {stable_mosaic.version = 14 : i64} {
  func.func @_body(%arg0: i32, %arg1: memref<2x48x8192xf32, #tpu.memory_space<vmem>>, %arg2: memref<48x8192xf32, #tpu.memory_space<vmem>>, %arg3: memref<48x128xi32, #tpu.memory_space<vmem>>, %arg4: memref<48x128xi32, #tpu.memory_space<vmem>>, %arg5: memref<48x128xf32, #tpu.memory_space<vmem>>, %arg6: memref<48x8192xi32, #tpu.memory_space<vmem>>, %arg7: memref<48x8192xi32, #tpu.memory_space<vmem>>, %arg8: memref<48x8192xf32, #tpu.memory_space<vmem>>) attributes {dimension_semantics = [#tpu.dimension_semantics<arbitrary>], iteration_bounds = array<i64: 1>, scalar_prefetch = 0 : i64, scratch_operands = 0 : i64, tpu.core_type = #tpu.core_type<tc>, window_params = [{transform_indices = @transform_0, window_bounds = array<i64: 2, 48, 8192>}, {transform_indices = @transform_1, window_bounds = array<i64: 48, 8192>}, {pipeline_mode = #tpu.pipeline_mode<synchronous>, transform_indices = @transform_2, window_bounds = array<i64: 48, 128>}, {pipeline_mode = #tpu.pipeline_mode<synchronous>, transform_indices = @transform_3, window_bounds = array<i64: 48, 128>}, {pipeline_mode = #tpu.pipeline_mode<synchronous>, transform_indices = @transform_4, window_bounds = array<i64: 48, 128>}, {pipeline_mode = #tpu.pipeline_mode<synchronous>, transform_indices = @transform_5, window_bounds = array<i64: 48, 8192>}, {pipeline_mode = #tpu.pipeline_mode<synchronous>, transform_indices = @transform_6, window_bounds = array<i64: 48, 8192>}, {pipeline_mode = #tpu.pipeline_mode<synchronous>, transform_indices = @transform_7, window_bounds = array<i64: 48, 8192>}]} {
    %get3A = arith.constant 0 : index
    %get3A_0 = arith.constant 0 : index
    %get3A_1 = vector.load %arg2[%get3A, %get3A_0] : memref<48x8192xf32, #tpu.memory_space<vmem>>, vector<48x8192xf32>
    %get3A_2 = arith.constant 0 : index
    %get3A_3 = arith.constant 0 : index
    %get3A_4 = arith.constant 0 : index
    %get3A_5 = vector.load %arg1[%get3A_2, %get3A_3, %get3A_4] : memref<2x48x8192xf32, #tpu.memory_space<vmem>>, vector<1x48x8192xf32>
    %get3A_6 = vector.shape_cast %get3A_5 : vector<1x48x8192xf32> to vector<48x8192xf32>
    %log3A = math.log %get3A_6 : vector<48x8192xf32>
    %log3A_7 = math.log %get3A_1 : vector<48x8192xf32>
    %mul3A = arith.constant 5.000000e-01 : f32
    %mul3A_8 = vector.broadcast %mul3A : f32 to vector<48x8192xf32>
    %mul3A_9 = arith.mulf %log3A_7, %mul3A_8 : vector<48x8192xf32>
    %add3A = arith.addf %log3A, %mul3A_9 : vector<48x8192xf32>
    %get3A_10 = arith.constant 1 : index
    %get3A_11 = arith.constant 0 : index
    %get3A_12 = arith.constant 0 : index
    %get3A_13 = vector.load %arg1[%get3A_10, %get3A_11, %get3A_12] : memref<2x48x8192xf32, #tpu.memory_space<vmem>>, vector<1x48x8192xf32>
    %get3A_14 = vector.shape_cast %get3A_13 : vector<1x48x8192xf32> to vector<48x8192xf32>
    %log3A_15 = math.log %get3A_14 : vector<48x8192xf32>
    %sub3A = arith.constant 1.000000e+00 : f32
    %sub3A_16 = vector.broadcast %sub3A : f32 to vector<48x8192xf32>
    %sub3A_17 = arith.subf %sub3A_16, %get3A_1 : vector<48x8192xf32>
    %log3A_18 = math.log %sub3A_17 : vector<48x8192xf32>
    %mul3A_19 = arith.constant 5.000000e-01 : f32
    %mul3A_20 = vector.broadcast %mul3A_19 : f32 to vector<48x8192xf32>
    %mul3A_21 = arith.mulf %log3A_18, %mul3A_20 : vector<48x8192xf32>
    %add3A_22 = arith.addf %log3A_15, %mul3A_21 : vector<48x8192xf32>
    %bitcast_convert_type3A = tpu.bitcast %add3A : vector<48x8192xf32> -> vector<48x8192xi32>
    %shift_right_arithmetic3A = arith.constant 31 : i32
    %shift_right_arithmetic3A_23 = vector.broadcast %shift_right_arithmetic3A : i32 to vector<48x8192xi32>
    %shift_right_arithmetic3A_24 = arith.shrsi %bitcast_convert_type3A, %shift_right_arithmetic3A_23 : vector<48x8192xi32>
    %and3A = arith.constant 2147483647 : i32
    %and3A_25 = vector.broadcast %and3A : i32 to vector<48x8192xi32>
    %and3A_26 = arith.andi %shift_right_arithmetic3A_24, %and3A_25 : vector<48x8192xi32>
    %xor3A = arith.xori %bitcast_convert_type3A, %and3A_26 : vector<48x8192xi32>
    %bitcast_convert_type3A_27 = tpu.bitcast %add3A_22 : vector<48x8192xf32> -> vector<48x8192xi32>
    %shift_right_arithmetic3A_28 = arith.constant 31 : i32
    %shift_right_arithmetic3A_29 = vector.broadcast %shift_right_arithmetic3A_28 : i32 to vector<48x8192xi32>
    %shift_right_arithmetic3A_30 = arith.shrsi %bitcast_convert_type3A_27, %shift_right_arithmetic3A_29 : vector<48x8192xi32>
    %and3A_31 = arith.constant 2147483647 : i32
    %and3A_32 = vector.broadcast %and3A_31 : i32 to vector<48x8192xi32>
    %and3A_33 = arith.andi %shift_right_arithmetic3A_30, %and3A_32 : vector<48x8192xi32>
    %xor3A_34 = arith.xori %bitcast_convert_type3A_27, %and3A_33 : vector<48x8192xi32>
    %concatenate3A = tpu.concatenate %xor3A, %xor3A_34 in 0 : vector<48x8192xi32>, vector<48x8192xi32> -> vector<96x8192xi32>
    %get3A_35 = arith.constant 0 : index
    %get3A_36 = arith.constant 0 : index
    %get3A_37 = vector.load %arg3[%get3A_35, %get3A_36] : memref<48x128xi32, #tpu.memory_space<vmem>>, vector<48x1xi32>
    %get3A_38 = arith.constant 0 : index
    %get3A_39 = arith.constant 0 : index
    %get3A_40 = vector.load %arg4[%get3A_38, %get3A_39] : memref<48x128xi32, #tpu.memory_space<vmem>>, vector<48x1xi32>
    %concatenate3A_41 = tpu.concatenate %get3A_37, %get3A_40 in 0 : vector<48x1xi32>, vector<48x1xi32> -> vector<96x1xi32>
    %broadcast_in_dim3A = arith.constant -1107296257 : i32
    %broadcast_in_dim3A_42 = vector.broadcast %broadcast_in_dim3A : i32 to vector<96x1xi32>
    %scan3A = arith.constant 0 : i32
    %scan3A_43 = arith.constant 28 : i32
    %scan3A_44 = arith.addi %scan3A, %scan3A_43 : i32
    %scan3A_45 = arith.constant 1 : i32
    %scan3A_46 = scf.for %scan3A_94 = %scan3A to %scan3A_44 step %scan3A_45 iter_args(%scan3A_95 = %broadcast_in_dim3A_42) -> (vector<96x1xi32>)  : i32 {
      %sub3A_96 = arith.constant 27 : i32
      %sub3A_97 = arith.subi %sub3A_96, %scan3A_94 : i32
      %shift_left3A = arith.constant 1 : i32
      %shift_left3A_98 = arith.shli %shift_left3A, %sub3A_97 : i32
      %add3A_99 = vector.broadcast %shift_left3A_98 : i32 to vector<96x1xi32>
      %add3A_100 = arith.addi %scan3A_95, %add3A_99 : vector<96x1xi32>
      %sub3A_101 = vector.broadcast %add3A_100 : vector<96x1xi32> to vector<96x8192xi32>
      %sub3A_102 = arith.subi %concatenate3A, %sub3A_101 : vector<96x8192xi32>
      %shift_right_arithmetic3A_103 = arith.constant 31 : i32
      %shift_right_arithmetic3A_104 = vector.broadcast %shift_right_arithmetic3A_103 : i32 to vector<96x8192xi32>
      %shift_right_arithmetic3A_105 = arith.shrsi %sub3A_102, %shift_right_arithmetic3A_104 : vector<96x8192xi32>
      %reduce_sum3A_106 = arith.constant dense<0> : vector<96xi32>
      %reduce_sum3A_107 = vector.multi_reduction <add>, %shift_right_arithmetic3A_105, %reduce_sum3A_106 [1] : vector<96x8192xi32> to vector<96xi32>
      %broadcast_in_dim3A_108 = vector.shape_cast %reduce_sum3A_107 : vector<96xi32> to vector<96x1xi32>
      %add3A_109 = arith.constant 8192 : i32
      %add3A_110 = vector.broadcast %add3A_109 : i32 to vector<96x1xi32>
      %add3A_111 = arith.addi %broadcast_in_dim3A_108, %add3A_110 : vector<96x1xi32>
      %ge3A = arith.cmpi sge, %add3A_111, %concatenate3A_41 : vector<96x1xi32>
      %select_n3A_112 = arith.select %ge3A, %add3A_100, %scan3A_95 : vector<96x1xi1>, vector<96x1xi32>
      scf.yield %select_n3A_112 : vector<96x1xi32>
    }
    %scan3A_47 = arith.constant 28 : i32
    %add3A_48 = arith.constant 1 : i32
    %add3A_49 = vector.broadcast %add3A_48 : i32 to vector<96x1xi32>
    %add3A_50 = arith.addi %scan3A_46, %add3A_49 : vector<96x1xi32>
    %sub3A_51 = vector.broadcast %add3A_50 : vector<96x1xi32> to vector<96x8192xi32>
    %sub3A_52 = arith.subi %concatenate3A, %sub3A_51 : vector<96x8192xi32>
    %shift_right_arithmetic3A_53 = arith.constant 31 : i32
    %shift_right_arithmetic3A_54 = vector.broadcast %shift_right_arithmetic3A_53 : i32 to vector<96x8192xi32>
    %shift_right_arithmetic3A_55 = arith.shrsi %sub3A_52, %shift_right_arithmetic3A_54 : vector<96x8192xi32>
    %reduce_sum3A = arith.constant dense<0> : vector<96xi32>
    %reduce_sum3A_56 = vector.multi_reduction <add>, %shift_right_arithmetic3A_55, %reduce_sum3A [1] : vector<96x8192xi32> to vector<96xi32>
    %broadcast_in_dim3A_57 = vector.shape_cast %reduce_sum3A_56 : vector<96xi32> to vector<96x1xi32>
    %add3A_58 = arith.constant 8192 : i32
    %add3A_59 = vector.broadcast %add3A_58 : i32 to vector<96x1xi32>
    %add3A_60 = arith.addi %broadcast_in_dim3A_57, %add3A_59 : vector<96x1xi32>
    %sub3A_61 = arith.subi %concatenate3A_41, %add3A_60 : vector<96x1xi32>
    %iota3A = tpu.iota {dimensions = array<i32: 1>} : vector<96x8192xi32>
    %eq3A = vector.broadcast %scan3A_46 : vector<96x1xi32> to vector<96x8192xi32>
    %eq3A_62 = arith.cmpi eq, %concatenate3A, %eq3A : vector<96x8192xi32>
    %jit3A = arith.constant 16384 : i32
    %broadcast_in_dim3A_63 = vector.broadcast %jit3A : i32 to vector<96x8192xi32>
    %select_n3A = arith.select %eq3A_62, %iota3A, %broadcast_in_dim3A_63 : vector<96x8192xi1>, vector<96x8192xi32>
    %broadcast_in_dim3A_64 = arith.constant -1 : i32
    %broadcast_in_dim3A_65 = vector.broadcast %broadcast_in_dim3A_64 : i32 to vector<96x1xi32>
    %scan3A_66 = arith.constant 0 : i32
    %scan3A_67 = arith.constant 14 : i32
    %scan3A_68 = arith.addi %scan3A_66, %scan3A_67 : i32
    %scan3A_69 = arith.constant 1 : i32
    %scan3A_70 = scf.for %scan3A_94 = %scan3A_66 to %scan3A_68 step %scan3A_69 iter_args(%scan3A_95 = %broadcast_in_dim3A_65) -> (vector<96x1xi32>)  : i32 {
      %sub3A_96 = arith.constant 13 : i32
      %sub3A_97 = arith.subi %sub3A_96, %scan3A_94 : i32
      %shift_left3A = arith.constant 1 : i32
      %shift_left3A_98 = arith.shli %shift_left3A, %sub3A_97 : i32
      %add3A_99 = vector.broadcast %shift_left3A_98 : i32 to vector<96x1xi32>
      %add3A_100 = arith.addi %scan3A_95, %add3A_99 : vector<96x1xi32>
      %add3A_101 = arith.constant 1 : i32
      %add3A_102 = vector.broadcast %add3A_101 : i32 to vector<96x1xi32>
      %add3A_103 = arith.addi %add3A_100, %add3A_102 : vector<96x1xi32>
      %sub3A_104 = vector.broadcast %add3A_103 : vector<96x1xi32> to vector<96x8192xi32>
      %sub3A_105 = arith.subi %select_n3A, %sub3A_104 : vector<96x8192xi32>
      %shift_right_arithmetic3A_106 = arith.constant 31 : i32
      %shift_right_arithmetic3A_107 = vector.broadcast %shift_right_arithmetic3A_106 : i32 to vector<96x8192xi32>
      %shift_right_arithmetic3A_108 = arith.shrsi %sub3A_105, %shift_right_arithmetic3A_107 : vector<96x8192xi32>
      %reduce_sum3A_109 = arith.constant dense<0> : vector<96xi32>
      %reduce_sum3A_110 = vector.multi_reduction <add>, %shift_right_arithmetic3A_108, %reduce_sum3A_109 [1] : vector<96x8192xi32> to vector<96xi32>
      %broadcast_in_dim3A_111 = vector.shape_cast %reduce_sum3A_110 : vector<96xi32> to vector<96x1xi32>
      %neg3A = arith.constant 0 : i32
      %neg3A_112 = vector.broadcast %neg3A : i32 to vector<96x1xi32>
      %neg3A_113 = arith.subi %neg3A_112, %broadcast_in_dim3A_111 : vector<96x1xi32>
      %le3A_114 = arith.cmpi sle, %neg3A_113, %sub3A_61 : vector<96x1xi32>
      %select_n3A_115 = arith.select %le3A_114, %add3A_100, %scan3A_95 : vector<96x1xi1>, vector<96x1xi32>
      scf.yield %select_n3A_115 : vector<96x1xi32>
    }
    %scan3A_71 = arith.constant 14 : i32
    %gt3A = vector.broadcast %scan3A_46 : vector<96x1xi32> to vector<96x8192xi32>
    %gt3A_72 = arith.cmpi sgt, %concatenate3A, %gt3A : vector<96x8192xi32>
    %le3A = vector.broadcast %scan3A_70 : vector<96x1xi32> to vector<96x8192xi32>
    %le3A_73 = arith.cmpi sle, %select_n3A, %le3A : vector<96x8192xi32>
    %or3A = arith.ori %gt3A_72, %le3A_73 : vector<96x8192xi1>
    %slice3A = vector.extract_strided_slice %or3A {offsets = [0, 0], sizes = [48, 8192], strides = [1, 1]} : vector<96x8192xi1> to vector<48x8192xi1>
    %swap3A = arith.constant 0 : index
    %swap3A_74 = arith.constant 0 : index
    %swap3A_75 = vector.load %arg6[%swap3A, %swap3A_74] : memref<48x8192xi32, #tpu.memory_space<vmem>>, vector<48x8192xi32>
    %swap3A_76 = arith.extui %slice3A : vector<48x8192xi1> to vector<48x8192xi32>
    %swap3A_77 = arith.constant dense<0> : vector<48x8192xi32>
    %swap3A_78 = arith.cmpi ne, %swap3A_75, %swap3A_77 : vector<48x8192xi32>
    tpu.vector_store %arg6[%swap3A, %swap3A_74], %swap3A_76 {strides = array<i32>} : memref<48x8192xi32, #tpu.memory_space<vmem>>, vector<48x8192xi32>,
    %slice3A_79 = vector.extract_strided_slice %or3A {offsets = [48, 0], sizes = [48, 8192], strides = [1, 1]} : vector<96x8192xi1> to vector<48x8192xi1>
    %swap3A_80 = arith.constant 0 : index
    %swap3A_81 = arith.constant 0 : index
    %swap3A_82 = vector.load %arg7[%swap3A_80, %swap3A_81] : memref<48x8192xi32, #tpu.memory_space<vmem>>, vector<48x8192xi32>
    %swap3A_83 = arith.extui %slice3A_79 : vector<48x8192xi1> to vector<48x8192xi32>
    %swap3A_84 = arith.constant dense<0> : vector<48x8192xi32>
    %swap3A_85 = arith.cmpi ne, %swap3A_82, %swap3A_84 : vector<48x8192xi32>
    tpu.vector_store %arg7[%swap3A_80, %swap3A_81], %swap3A_83 {strides = array<i32>} : memref<48x8192xi32, #tpu.memory_space<vmem>>, vector<48x8192xi32>,
    %get3A_86 = arith.constant 0 : index
    %get3A_87 = arith.constant 0 : index
    %get3A_88 = vector.load %arg5[%get3A_86, %get3A_87] : memref<48x128xf32, #tpu.memory_space<vmem>>, vector<48x1xf32>
    %broadcast_in_dim3A_89 = vector.shape_cast %get3A_88 : vector<48x1xf32> to vector<48x1xf32>
    %broadcast_in_dim3A_90 = vector.broadcast %broadcast_in_dim3A_89 : vector<48x1xf32> to vector<48x8192xf32>
    %swap3A_91 = arith.constant 0 : index
    %swap3A_92 = arith.constant 0 : index
    %swap3A_93 = vector.load %arg8[%swap3A_91, %swap3A_92] : memref<48x8192xf32, #tpu.memory_space<vmem>>, vector<48x8192xf32>
    tpu.vector_store %arg8[%swap3A_91, %swap3A_92], %broadcast_in_dim3A_90 {strides = array<i32>} : memref<48x8192xf32, #tpu.memory_space<vmem>>, vector<48x8192xf32>,
    return
  }
  func.func @transform_0(%arg0: i32) -> (i32, i32, i32) {
    %c0_i32 = arith.constant 0 : i32
    %c0_i32_0 = arith.constant 0 : i32
    %c0_i32_1 = arith.constant 0 : i32
    %c0_i32_2 = arith.constant 0 : i32
    return %c0_i32, %c0_i32_0, %c0_i32_1 : i32, i32, i32
  }
  func.func @transform_1(%arg0: i32) -> (i32, i32) {
    %c0_i32 = arith.constant 0 : i32
    %c0_i32_0 = arith.constant 0 : i32
    %c0_i32_1 = arith.constant 0 : i32
    return %c0_i32, %c0_i32_0 : i32, i32
  }
  func.func @transform_2(%arg0: i32) -> (i32, i32) {
    %c0_i32 = arith.constant 0 : i32
    %c0_i32_0 = arith.constant 0 : i32
    %c0_i32_1 = arith.constant 0 : i32
    return %c0_i32, %c0_i32_0 : i32, i32
  }
  func.func @transform_3(%arg0: i32) -> (i32, i32) {
    %c0_i32 = arith.constant 0 : i32
    %c0_i32_0 = arith.constant 0 : i32
    %c0_i32_1 = arith.constant 0 : i32
    return %c0_i32, %c0_i32_0 : i32, i32
  }
  func.func @transform_4(%arg0: i32) -> (i32, i32) {
    %c0_i32 = arith.constant 0 : i32
    %c0_i32_0 = arith.constant 0 : i32
    %c0_i32_1 = arith.constant 0 : i32
    return %c0_i32, %c0_i32_0 : i32, i32
  }
  func.func @transform_5(%arg0: i32) -> (i32, i32) {
    %c0_i32 = arith.constant 0 : i32
    %c0_i32_0 = arith.constant 0 : i32
    %c0_i32_1 = arith.constant 0 : i32
    return %c0_i32, %c0_i32_0 : i32, i32
  }
  func.func @transform_6(%arg0: i32) -> (i32, i32) {
    %c0_i32 = arith.constant 0 : i32
    %c0_i32_0 = arith.constant 0 : i32
    %c0_i32_1 = arith.constant 0 : i32
    return %c0_i32, %c0_i32_0 : i32, i32
  }
  func.func @transform_7(%arg0: i32) -> (i32, i32) {
    %c0_i32 = arith.constant 0 : i32
    %c0_i32_0 = arith.constant 0 : i32
    %c0_i32_1 = arith.constant 0 : i32
    return %c0_i32, %c0_i32_0 : i32, i32
  }
}

</mosaic_0001>

<sc_bundles>
// kernel: kernel.4.cloned.1.call-start
scs
__scs_entry_jumppad:
0x0: {  	(pc) =	sbr.rel $0x88, $3  }
0x1: {  	(tag) =	ssettag $0x0;
	lr =	simm.s32 $0x1  }
0x2: {  	[smem:$0x3F9E] =	sst lr;
	_ =	strace $0xD0000000  }
0x3: {  	_ = 	snop  }
0x4: {  	_ = 	snop  }
0x5: {  	_ = 	snop  }
0x6: {  	_ = 	snop  }
0x7: {  	_ = 	snop  }
__scs_overlays_trampoline_lowered:
0x8: {  	[smem:$0x3FAD] =	sst s0  }
0x9: {  	[smem:$0x3FAE] =	sst s1  }
0xa: {  	[smem:$0x3FAF] =	sst s2  }
0xb: {  	[smem:$0x3FB0] =	sst s3  }
0xc: {  	[smem:$0x3FB1] =	sst s4  }
0xd: {  	[smem:$0x3FB2] =	sst s5  }
0xe: {  	[smem:$0x3FB3] =	sst s6  }
0xf: {  	[smem:$0x3FB4] =	sst s7  }
0x10: {  	[smem:$0x3FB5] =	sst s8  }
0x11: {  	[smem:$0x3FB6] =	sst s9;
	s0 =	simm.s32 @!p0 $0x0  }
0x12: {  	s1 =	sld [smem:$0x3F9C];
	s0 =	simm.s32 @p0 $0x1  }
0x13: {  	[smem:$0x3FB7] =	sst s0;
	s0 =	simm.s32 @!p1 $0x0  }
0x14: {  	s2 =	sld [smem:$0x3F9B];
	s0 =	simm.s32 @p1 $0x1  }
0x15: {  	[smem:$0x3FB8] =	sst s0;
	s0 =	simm.s32 @!p2 $0x0  }
0x16: {  	s3 =	sld [smem:$0x3FDB];
	s0 =	simm.s32 @p2 $0x1  }
0x17: {  	s4 =	simm.s32 $0x1BF5;
	[smem:$0x3FBA] =	sst s0  }
0x18: {  	s0 =	sld [smem:$0x3F9D];
	_ =	swait.ge [sflag:s4], $0x0  }
0x19: {  	s7 =	sld [smem:$0x3F9E]  }
0x1a: {  	s8 =	sadd.s32 $0xFFFFE003, lr  }
0x1b: {  	s9 =	sadd.s32 $0xFFFFFEF7, lr;
	s5 =	simm.s32 $0xFFFFFFFF;
	p2 =	slt.u32 s8, $0xFFFFF086  }
0x1c: {  	p1 =	slt.u32 s9, $0xF7A;
	s5 =	simm.s32 @!p2 $0x0  }
0x1d: {  	s5 =	simm.s32 @p1 $0x1;
	p0 =	seq.s32 s7, s2  }
0x1e: {  	s7 =	smul.u32 @!p0 $0xF7A, s2;
	p2 =	seq.s32 @!p0 s5, $0x0  }
0x1f: {  	s9 =	smul.u32 $0xF7A, s1;
	s8 =	simm.s32 @!p0 $0x1BF5;
	p2 =	por !p2, p0  }
0x20: {  	[sflag:s8] =	ssyncset.s32 @!p0 $0xFFFFF086;
	s6 =	sadd.s32 @!p0 s3, s7;
	s7 =	simm.s32 @!p0 $0x108  }
0x21: {  	s3 =	sadd.s32 s3, s9;
	s6 =	sadd.s32 @!p0 $0x88, s6;
	s7 =	simm.s32 @p2 $0x1082  }
0x22: {  	[simem:s7], [sflag:s8] =	dma.local @!p0 [hbm:s6], $0xF7A  }
0x23: {  	s9 =	sor.u32 $0xD0000000, s2;
	s6 =	simm.s32 $0x108;
	_ =	swait.ge @!p0 [sflag:s8], $0x0  }
0x24: {  	s3 =	sadd.s32 $0x88, s3;
	s6 =	simm.s32 @!p1 $0x1082;
	[sflag:s4] =	ssyncset.s32 $0xFFFFF086  }
0x25: {  	[simem:s6], [sflag:s4] =	dma.local [hbm:s3], $0xF7A  }
0x26: {  	[smem:$0x3F9E] =	sst s1;
	(tag) =	ssettag s2;
	_ =	strace s9  }
0x27: {  	s1 =	sld [smem:$0x3FAE]  }
0x28: {  	s2 =	sld [smem:$0x3FAF]  }
0x29: {  	s4 =	sld [smem:$0x3FB1]  }
0x2a: {  	p0 =	seq.s32 s5, $0x0;
	s5 =	sld [smem:$0x3FB2]  }
0x2b: {  	s6 =	sld [smem:$0x3FB3]  }
0x2c: {  	s7 =	sld [smem:$0x3FB4]  }
0x2d: {  	s3 =	simm.s32 $0x108;
	s8 =	sld [smem:$0x3FB5]  }
0x2e: {  	s3 =	simm.s32 @!p0 $0x1082;
	s9 =	sld [smem:$0x3FB6]  }
0x2f: {  	lr =	sadd.s32 s0, s3;
	s0 =	sld [smem:$0x3FAD]  }
0x30: {  	s3 =	sld [smem:$0x3FB0]  }
0x31: {  	[smem:$0x3FB9] =	sst s10  }
0x32: {  	s10 =	sld [smem:$0x3FB7];
	_ =	sdelay $0x3  }
0x33: {  	p0 =	seq.s32 s10, $0x1;
	s10 =	sld [smem:$0x3FB9];
	_ =	sdelay $0x3  }
0x34: {  	[smem:$0x3FB9] =	sst s10  }
0x35: {  	s10 =	sld [smem:$0x3FB8];
	_ =	sdelay $0x3  }
0x36: {  	p1 =	seq.s32 s10, $0x1;
	s10 =	sld [smem:$0x3FB9];
	_ =	sdelay $0x3  }
0x37: {  	[smem:$0x3FB9] =	sst s10  }
0x38: {  	s10 =	sld [smem:$0x3FBA]  }
0x39: {  	_ = 	snop;
	(pc) =	sbr.ind lr, $3  }
0x3a: {  	_ = 	snop  }
0x3b: {  	_ = 	snop  }
0x3c: {  	p2 =	seq.s32 s10, $0x1;
	s10 =	sld [smem:$0x3FB9]  }
0x3d: {  	_ =	shalt  }
0x3e: {  	_ =	shalt  }
0x3f: {  	_ =	shalt  }
0x40: {  	_ =	shalt  }
0x41: {  	_ =	shalt  }
0x42: {  	_ =	shalt  }
0x43: {  	_ =	shalt  }
0x44: {  	_ =	shalt  }
0x45: {  	_ =	shalt  }
0x46: {  	_ =	shalt  }
0x47: {  	_ =	shalt  }
0x48: {  	_ =	shalt  }
0x49: {  	_ =	shalt  }
0x4a: {  	_ =	shalt  }
0x4b: {  	_ =	shalt  }
0x4c: {  	_ =	shalt  }
0x4d: {  	_ =	shalt  }
0x4e: {  	_ =	shalt  }
0x4f: {  	_ =	shalt  }
0x50: {  	_ =	shalt  }
0x51: {  	_ =	shalt  }
0x52: {  	_ =	shalt  }
0x53: {  	_ =	shalt  }
0x54: {  	_ =	shalt  }
0x55: {  	_ =	shalt  }
0x56: {  	_ =	shalt  }
0x57: {  	_ =	shalt  }
0x58: {  	_ =	shalt  }
0x59: {  	_ =	shalt  }
0x5a: {  	_ =	shalt  }
0x5b: {  	_ =	shalt  }
0x5c: {  	_ =	shalt  }
0x5d: {  	_ =	shalt  }
0x5e: {  	_ =	shalt  }
0x5f: {  	_ =	shalt  }
0x60: {  	_ =	shalt  }
0x61: {  	_ =	shalt  }
0x62: {  	_ =	shalt  }
0x63: {  	_ =	shalt  }
0x64: {  	_ =	shalt  }
0x65: {  	_ =	shalt  }
0x66: {  	_ =	shalt  }
0x67: {  	_ =	shalt  }
0x68: {  	_ =	shalt  }
0x69: {  	_ =	shalt  }
0x6a: {  	_ =	shalt  }
0x6b: {  	_ =	shalt  }
0x6c: {  	_ =	shalt  }
0x6d: {  	_ =	shalt  }
0x6e: {  	_ =	shalt  }
0x6f: {  	_ =	shalt  }
0x70: {  	_ =	shalt  }
0x71: {  	_ =	shalt  }
0x72: {  	_ =	shalt  }
0x73: {  	_ =	shalt  }
0x74: {  	_ =	shalt  }
0x75: {  	_ =	shalt  }
0x76: {  	_ =	shalt  }
0x77: {  	_ =	shalt  }
0x78: {  	_ =	shalt  }
0x79: {  	_ =	shalt  }
0x7a: {  	_ =	shalt  }
0x7b: {  	_ =	shalt  }
0x7c: {  	_ =	shalt  }
0x7d: {  	_ =	shalt  }
0x7e: {  	_ =	shalt  }
0x7f: {  	_ =	shalt  }
0x80: {  	_ =	shalt  }
0x81: {  	_ =	shalt  }
0x82: {  	_ =	shalt  }
0x83: {  	_ =	shalt  }
0x84: {  	_ =	shalt  }
0x85: {  	_ =	shalt  }
0x86: {  	_ =	shalt  }
0x87: {  	_ =	shalt  }
.Lfunc_end0:
.L_simem_size_0:
called_computation_lowered:
.L_overlay_start_0:
0x88: {  	s2 =	sld [smem:$0x3FD9]  }
0x89: {  	s3 =	sld [smem:$0x3FFE];
	_ =	sdelay $0x1  }
0x8a: {  	s1 =	srdreg.scid  }
0x8b: {  	s0 =	sand.u32 $0x1, s1  }
0x8c: {  	s14 =	sshll.u32 s0, $0xA;
	s2 =	sadd.s32 s3, s2  }
0x8d: {  	s2 =	sadd.s32 s2, s14  }
0x8e: {  	[smem:$0x3FC5] =	sst s2  }
0x8f: {  	_ = 	snop  }
0x90: {  	s2 =	sld [smem:$0x3FD0];
	_ =	sdelay $0x1  }
0x91: {  	s15 =	sld [smem:$0x3FC9]  }
0x92: {  	s5 =	simm.s32 $0xA;
	s6 =	simm.s32 $0x10;
	s4 =	sld [smem:$0x3FC8]  }
0x93: {  	[smem:s6], [sflag:s5] =	dma.local [hbm:s2], $0x1  }
0x94: {  	_ =	swait.eq [sflag:s5], $0x1  }
0x95: {  	s16 =	sld [smem:$0x10];
	[sflag:s5] =	ssyncset.done $0x0  }
0x96: {  	s17 =	sld [smem:$0x11];
	[sflag:s5] =	ssyncadd.s32 $0xFFFFFFFF  }
0x97: {  	s18 =	sld [smem:$0x12];
	(tm) =	ssettm $0x1  }
0x98: {  	s7 =	sld [smem:$0x3FFB];
	_ =	sdelay $0x3  }
0x99: {  	_ =	strace s7  }
0x9a: {  	s7 =	sld [smem:$0x3FFC];
	_ =	sdelay $0x3  }
0x9b: {  	_ =	strace s7  }
0x9c: {  	s7 =	sld [smem:$0x3FFD];
	_ =	sdelay $0x3  }
0x9d: {  	_ =	strace s7  }
0x9e: {  	_ =	strace $0x8FFFFFFF  }
0x9f: {  	s19 =	sld [smem:$0x3FDB];
	_ =	sdelay $0x1  }
0xa0: {  	s8 =	simm.s32 $_scs_section_size  }
0xa1: {  	s9 =	simm.s32 $_size__tile_overlayer_lowered;
	s10 =	simm.s32 $_tile_overlayer_lowered  }
0xa2: {  	s22 =	simm.s32 $0x1BFF;
	s21 =	sshll.u32 s10, $0x1;
	s7 =	sadd.s32 s8, s19  }
0xa3: {  	s11 =	simm.s32 $0x0;
	s20 =	sshll.u32 s9, $0x1;
	s9 =	sadd.s32 s21, s7  }
0xa4: {  	[timem:s11], [sflag:s22] =	dma.local [hbm:s9], s20  }
0xa5: {  	_ =	swait.ge [sflag:s22], s20  }
0xa6: {  	s8 =	ssub.s32 $0x0, s20;
	[sflag:s22] =	ssyncset.done $0x0  }
0xa7: {  	[sflag:s22] =	ssyncadd.s32 s8;
	_ =	sdelay $0x1  }
0xa8: {  	s23 =	simm.s32 $0x1B8B  }
0xa9: {  	_ =	swait.ge [sflag:s23], $0x1  }
0xaa: {  	[sflag:s23] =	ssyncset.done $0x0  }
0xab: {  	s25 =	simm.s32 $0x1B8E;
	s24 =	sld [smem:$0x3FFE];
	[sflag:s23] =	ssyncadd.s32 $0xFFFFFFFF  }
0xac: {  	s26 =	simm.s32 $execute0_lowered;
	[smem:$0x3FD2] =	sst s25  }
0xad: {  	s9 =	sshll.u32 s26, $0x1;
	_ =	strace $0x80000046;
	[dreg:$0x1] =	wrdreg $0xFFFFFFFF  }
0xae: {  	s28 =	simm.s32 $_size_execute0_lowered;
	s7 =	sadd.s32 s7, s9;
	[dreg:$0x0] =	wrdreg $0x0  }
0xaf: {  	s9 =	sshll.u32 s28, $0x1;
	[dreg:$0x2] =	wrdreg s7  }
0xb0: {  	[dreg:$0x3] =	wrdreg s9  }
0xb1: {  	[dreg:$0x4] =	wrdreg $0xC0  }
0xb2: {  	_ =	task [dreg:s11], $0x5FFFF  }
0xb3: {  	[dreg:$0x1] =	wrdreg $0xFFFFFFFF  }
0xb4: {  	[dreg:$0x0] =	wrdreg $0x60  }
0xb5: {  	[dreg:$0x2] =	wrdreg s15  }
0xb6: {  	[dreg:$0x3] =	wrdreg s4  }
0xb7: {  	[dreg:$0x4] =	wrdreg s16  }
0xb8: {  	[dreg:$0x5] =	wrdreg s24  }
0xb9: {  	[dreg:$0x6] =	wrdreg s18  }
0xba: {  	[dreg:$0x7] =	wrdreg s17  }
0xbb: {  	[dreg:$0x8] =	wrdreg $0x9  }
0xbc: {  	_ =	task.clear_ibuf [dreg:s11], $0x9FFFF;
	_ =	strace $0x90000046  }
0xbd: {  	s29 =	simm.s32 $0x9;
	_ =	strace $0x80000048  }
0xbe: {  	_ =	swait.ge [sflag:s29], $0x1  }
0xbf: {  	[sflag:s29] =	ssyncadd.s32 $0xFFFFFFFF  }
0xc0: {  	_ =	strace $0x90000048  }
0xc1: {  	_ =	sfence  }
0xc2: {  	s30 =	sld [smem:$0x0];
	_ =	sdelay $0x2  }
0xc3: {  	s31 =	sshll.u32 s1, $0xD;
	s1 =	sshrl.u32 s1, $0x2  }
0xc4: {  	s3 =	sand.u32 $0x4000, s31;
	s1 =	sadd.s32 s1, s30  }
0xc5: {  	s0 =	sor.u32 s3, s0;
	s1 =	sshll.u32 s1, $0x11  }
0xc6: {  	s0 =	sor.u32 s1, s0  }
0xc7: {  	s0 =	sadd.s32 $0x8F2B, s0  }
0xc8: {  	[sflag:s0] =	ssyncadd.remote.s32 $0x1  }
0xc9: {  	_ =	sfence.sel $0xFFFF  }
0xca: {  	[dreg:$0x0] =	wrdreg $0xFFFFFFFF;
	(pc) =	sbr.abs _section_cstart, $3  }
0xcb: {  	[dreg:$0x1] =	wrdreg $0xFFFFFFFF  }
0xcc: {  	_ =	task.clear_ibuf [dreg:s11], $0x2FFFF;
	_ =	strace $0x9FFFFFFF  }
0xcd: {  	(tm) =	ssettm $0x7FFFFFFF  }
tec
execute0_lowered:
.L_overlay_start_1:
0x0: {  	(tag) =	ssettag $0x1  }
0x1: {  	s5 =	rddreg [dreg:$0x0]  }
0x2: {  	s6 =	rddreg [dreg:$0x1]  }
0x3: {  	s2 =	rddreg [dreg:$0x2]  }
0x4: {  	s4 =	rddreg [dreg:$0x3]  }
0x5: {  	s8 =	rddreg [dreg:$0x4]  }
0x6: {  	s9 =	rddreg [dreg:$0x5];
	s1 =	stileid.u32  }
0x7: {  	s3 =	simm.s32 $0x0;
	s7 =	srdreg.scid;
	s17 =	simm.s32 $0x1  }
0x8: {  	s18 =	simm.s32 $0x2;
	s10 =	sor.u32 $0x30, s1;
	s12 =	sshll.u32 s1, $0x7  }
0x9: {  	[smem:$0x7FF] =	sst s3;
	s20 =	sand.u32 $0x1, s7;
	s4 =	sadd.s32 $0x1800, s4  }
0xa: {  	s15 =	sshll.u32 s1, $0xD;
	s11 =	sshll.u32 s10, $0xD;
	s21 =	ssub.s32 $0x2, s20  }
0xb: {  	s13 =	sshll.u32 s20, $0x13;
	_ =	strace $0x80000047;
	s22 =	sxor.u32 $0x1, s20  }
0xc: {  	s25 =	sshll.u32 s10, $0x4;
	s28 =	sshll.u32 s20, $0xA;
	s16 =	sshll.u32 s20, $0x11  }
0xd: {  	p0 =	sne.s32 s20, $0x0;
	s20 =	simm.s32 $0x6000;
	s19 =	sor.u32 s12, s11  }
0xe: {  	s14 =	sshrl.u32 s21, $0x1;
	s23 =	scvt.s32.f32 s22;
	s24 =	sshll.u32 s22, $0x1  }
0xf: {  	s26 =	sand.u32 $0x380, s25;
	s12 =	sor.u32 s12, s15;
	s15 =	simm.s32 $0x400  }
0x10: {  	s7 =	sand.u32 $0x70380, s19;
	s11 =	ssub.s32 s21, s14;
	s12 =	sand.u32 $0x10380, s12  }
0x11: {  	s14 =	sand.u32 $0x70, s25;
	s19 =	simm.s32 $0x20000000;
	s21 =	simm.s32 $0x3  }
0x12: {  	s13 =	sor.u32 s13, s7;
	s7 =	sshrl.u32 s7, $0x3;
	s29 =	sor.u32 s16, s12  }
0x13: {  	s23 =	ssub.f32 $1.000000000e+00, s23;
	s12 =	sshrl.u32 s12, $0x3;
	s16 =	simm.s32 $0x2000  }
0x14: {  	s13 =	sshrl.u32 s13, $0x3;
	s6 =	sadd.s32 s6, s7;
	s31 =	sshrl.u32 s29, $0x3  }
0x15: {  	s9 =	sadd.s32 s9, s12;
	s12 =	simm.s32 $0x4;
	s5 =	sadd.s32 s5, s13  }
.Ltmp0:
0x16: {  	s13 =	sadd.s32 $0xFFFFFFFF, s24;
	s8 =	sadd.s32 s8, s31;
	(pc) =	sbr.rel .LBB2_1-.Ltmp0, $4  }
0x17: {  	s24 =	sshll.u32 s10, $0x6;
	s10 =	smax.u32 s11, $0x1;
	s11 =	simm.s32 $0xA000  }
0x18: {  	v1 =	vmov s23;
	s23 =	simm.s32 $0x8000;
	s22 =	scvt.s32.f32 s13;
	s13 =	sor.u32 s26, s28  }
0x19: {  	s30 =	sor.u32 s14, s13;
	s13 =	simm.s32 $0xA800;
	s14 =	simm.s32 $0x80  }
0x1a: {  	v2 =	vimm.s32 $0x0;
	s7 =	sor.u32 $0xA000, s30;
	v0 =	vmov s22;
	s22 =	sshrl.u32 s24, $0x2;
	s24 =	simm.s32 $0x0  }
.LBB2_13:
0x1b: {  	s24 =	sadd.s32 $0x1, s24  }
0x1c: {  	p1 =	sne.s32 s24, s10  }
.Ltmp1:
0x1d: {  	_ = 	snop;
	(pc) =	sbr.rel @!p1 .LBB2_14-.Ltmp1, $1  }
0x1e: {  	_ =	sdelay $0x3  }
.LBB2_1:
0x1f: {  	[tilespmem:s11], [sflag:$0x4] =	stream.linear.gather [hbm4b:s2+s3], $0x800, $0x38;
	[tilespmem:$0xAC00] =	vst v63  }
0x20: {  	_ =	swait.ge [sflag:s12], $0x800  }
0x21: {  	[sflag:s12] =	ssyncset.done $0x0  }
0x22: {  	[sflag:s12] =	ssyncadd.s32 $0xFFFFF800  }
0x23: {  	[tilespmem:s13], [sflag:$0x4] =	stream.linear.gather [hbm4b:s4+s3], $0x400, $0x38;
	[tilespmem:$0xAC00] =	vst v63  }
0x24: {  	_ =	swait.ge [sflag:s12], $0x400  }
0x25: {  	[sflag:s12] =	ssyncset.done $0x0  }
0x26: {  	[sflag:s12] =	ssyncadd.s32 $0xFFFFFC00  }
0x27: {  	[tilespmem:s3], [sflag:$0x1] =	stream.strided.gather [hbm4b:s5+s14], $0x2000, s15, s14, $0x38;
	[tilespmem:$0xAC00] =	vst v63  }
0x28: {  	_ = 	snop  }
0x29: {  	[tilespmem:s16], [sflag:$0x2] =	stream.strided.gather [hbm4b:s6+s14], $0x2000, s15, s14, $0x38;
	[tilespmem:$0xAC00] =	vst v63  }
0x2a: {  	_ =	swait.ge [sflag:s17], $0x2000  }
0x2b: {  	[sflag:s17] =	ssyncset.done $0x0  }
0x2c: {  	[sflag:s17] =	ssyncadd.s32 $0xFFFFE000  }
0x2d: {  	_ =	swait.ge [sflag:s18], $0x2000  }
0x2e: {  	[sflag:s18] =	ssyncset.done $0x0  }
0x2f: {  	s25 =	simm.s32 $0x0;
	[sflag:s18] =	ssyncadd.s32 $0xFFFFE000  }
0x30: {  	v3 =	vld [tilespmem:s25+$0x2070]  }
0x31: {  	v4 =	vld [tilespmem:s25+$0x2000]  }
0x32: {  	v5 =	vld [tilespmem:s25+$0x70]  }
0x33: {  	v6 =	vld [tilespmem:s25+$0x2010]  }
0x34: {  	v7 =	vld [tilespmem:s25+$0x2020]  }
0x35: {  	v8 =	vld [tilespmem:s25+$0x2030]  }
0x36: {  	v14 =	vld [tilespmem:s25+$0x2060];
	v3 =	vmul.f32 v3, v0  }
0x37: {  	v11 =	vld [tilespmem:s25+$0x2040]  }
0x38: {  	v12 =	vld [tilespmem:s25+$0x2050];
	v5 =	vmul.f32 v5, v5;
	v3 =	vadd.f32 v3, v1  }
0x39: {  	v15 =	vld [tilespmem:s25+$0x0];
	v4 =	vmul.f32 v4, v0  }
0x3a: {  	v16 =	vld [tilespmem:s25+$0x10];
	v3 =	vmul.f32 v3, v5;
	v5 =	vmul.f32 v6, v0  }
0x3b: {  	v10 =	vld [tilespmem:s25+$0x20];
	v17 =	vmul.f32 v14, v0;
	v6 =	vmul.f32 v7, v0  }
0x3c: {  	v13 =	vld [tilespmem:s25+$0x30];
	[tilespmem:s25+$0x4070] =	vst v3;
	v9 =	vadd.f32 v5, v1;
	v3 =	vmul.f32 v8, v0;
	v5 =	vmul.f32 v11, v0  }
0x3d: {  	v4 =	vadd.f32 v4, v1;
	v7 =	vadd.f32 v6, v1;
	v6 =	vmul.f32 v12, v0;
	v11 =	vld [tilespmem:s25+$0x40]  }
0x3e: {  	v15 =	vmul.f32 v15, v15;
	v12 =	vld [tilespmem:s25+$0x50];
	v8 =	vadd.f32 v3, v1;
	v5 =	vadd.f32 v5, v1  }
0x3f: {  	s26 =	simm.s32 $0x80;
	s28 =	simm.s32 $0x400;
	v16 =	vmul.f32 v16, v16;
	v14 =	vld [tilespmem:s25+$0x60];
	v3 =	vadd.f32 v6, v1;
	v6 =	vadd.f32 v17, v1  }
.LBB2_2:
0x40: {  	p1 =	sne.s32 s28, $0x7E00;
	v17 =	vld [tilespmem:s26+$0x2070];
	v4 =	vmul.f32 v4, v15;
	v10 =	vmul.f32 v10, v10  }
0x41: {  	v15 =	vld [tilespmem:s26+$0x2000];
	v9 =	vmul.f32 v9, v16;
	v13 =	vmul.f32 v13, v13  }
0x42: {  	v16 =	vld [tilespmem:s26+$0x70];
	[tilespmem:s25+$0x4000] =	vst v4;
	v4 =	vmul.f32 v7, v10;
	v7 =	vmul.f32 v11, v11  }
0x43: {  	v10 =	vld [tilespmem:s26+$0x2010];
	[tilespmem:s25+$0x4010] =	vst v9;
	v8 =	vmul.f32 v8, v13;
	v9 =	vmul.f32 v12, v12  }
0x44: {  	v11 =	vld [tilespmem:s26+$0x2020];
	[tilespmem:s25+$0x4020] =	vst v4;
	v4 =	vmul.f32 v5, v7;
	v5 =	vmul.f32 v14, v14  }
0x45: {  	v7 =	vld [tilespmem:s26+$0x2030];
	v12 =	vmul.f32 v17, v0;
	[tilespmem:s25+$0x4030] =	vst v8;
	v3 =	vmul.f32 v3, v9  }
0x46: {  	v8 =	vmul.f32 v15, v0;
	v13 =	vld [tilespmem:s26+$0x2040];
	[tilespmem:s25+$0x4040] =	vst v4;
	v5 =	vmul.f32 v6, v5  }
0x47: {  	v6 =	vld [tilespmem:s26+$0x2050];
	v9 =	vmul.f32 v16, v16;
	v12 =	vadd.f32 v12, v1;
	[tilespmem:s25+$0x4050] =	vst v3  }
0x48: {  	v4 =	vadd.f32 v8, v1;
	v3 =	vmul.f32 v10, v0;
	v14 =	vld [tilespmem:s26+$0x2060];
	[tilespmem:s25+$0x4060] =	vst v5;
	s25 =	smov.u32 s26  }
0x49: {  	v15 =	vld [tilespmem:s25+$0x0];
	v5 =	vmul.f32 v11, v0;
	v8 =	vmul.f32 v12, v9  }
0x4a: {  	v16 =	vld [tilespmem:s25+$0x10];
	v9 =	vadd.f32 v3, v1;
	v3 =	vmul.f32 v7, v0  }
.Ltmp2:
0x4b: {  	v10 =	vld [tilespmem:s25+$0x20];
	v7 =	vadd.f32 v5, v1;
	v5 =	vmul.f32 v13, v0;
	[tilespmem:s25+$0x4070] =	vst v8;
	(pc) =	sbr.rel @p1 .LBB2_2-.Ltmp2, $4  }
0x4c: {  	v13 =	vld [tilespmem:s25+$0x30];
	v8 =	vadd.f32 v3, v1;
	v3 =	vmul.f32 v6, v0  }
0x4d: {  	v11 =	vld [tilespmem:s25+$0x40];
	v5 =	vadd.f32 v5, v1;
	v6 =	vmul.f32 v14, v0  }
0x4e: {  	v15 =	vmul.f32 v15, v15;
	v12 =	vld [tilespmem:s25+$0x50];
	v3 =	vadd.f32 v3, v1  }
0x4f: {  	s26 =	sshra.s32 s28, $0x2;
	s28 =	sadd.s32 $0x200, s28;
	v16 =	vmul.f32 v16, v16;
	v14 =	vld [tilespmem:s25+$0x60];
	v6 =	vadd.f32 v6, v1  }
0x50: {  	v17 =	vld [tilespmem:s26+$0x2070];
	v4 =	vmul.f32 v4, v15;
	v10 =	vmul.f32 v10, v10  }
0x51: {  	v44 =	vld [tilespmem:s26+$0x2000];
	v9 =	vmul.f32 v9, v16;
	v13 =	vmul.f32 v13, v13  }
0x52: {  	v18 =	vld [tilespmem:s26+$0x70];
	[tilespmem:s25+$0x4000] =	vst v4;
	v7 =	vmul.f32 v7, v10;
	v45 =	vmul.f32 v11, v11  }
0x53: {  	v4 =	vld [tilespmem:s26+$0x2010];
	[tilespmem:s25+$0x4010] =	vst v9;
	v8 =	vmul.f32 v8, v13;
	v46 =	vmul.f32 v12, v12  }
0x54: {  	v9 =	vld [tilespmem:s26+$0x2020];
	[tilespmem:s25+$0x4020] =	vst v7;
	v5 =	vmul.f32 v5, v45;
	v47 =	vmul.f32 v14, v14  }
0x55: {  	v7 =	vld [tilespmem:s26+$0x2030];
	[tilespmem:s25+$0x4030] =	vst v8;
	v3 =	vmul.f32 v3, v46  }
0x56: {  	v8 =	vld [tilespmem:s26+$0x2040];
	[tilespmem:s25+$0x4040] =	vst v5;
	v6 =	vmul.f32 v6, v47  }
0x57: {  	v5 =	vld [tilespmem:s26+$0x2050];
	[tilespmem:s25+$0x4050] =	vst v3  }
0x58: {  	v48 =	vmul.f32 v17, v0;
	v3 =	vld [tilespmem:s26+$0x2060];
	[tilespmem:s25+$0x4060] =	vst v6  }
0x59: {  	v6 =	vld [tilespmem:s26+$0x0]  }
0x5a: {  	v49 =	vmul.f32 v18, v18;
	v11 =	vadd.f32 v48, v1;
	v50 =	vld [tilespmem:s26+$0x10]  }
0x5b: {  	v52 =	vmul.f32 v44, v0;
	v4 =	vmul.f32 v4, v0;
	v51 =	vld [tilespmem:s26+$0x20]  }
0x5c: {  	v10 =	vmul.f32 v11, v49;
	v9 =	vmul.f32 v9, v0;
	v53 =	vld [tilespmem:s26+$0x30]  }
0x5d: {  	v54 =	vld [tilespmem:s26+$0x40];
	v7 =	vmul.f32 v7, v0;
	v8 =	vmul.f32 v8, v0  }
0x5e: {  	v13 =	vadd.f32 v52, v1;
	v55 =	vld [tilespmem:s26+$0x50];
	v5 =	vmul.f32 v5, v0;
	v6 =	vmul.f32 v6, v6  }
0x5f: {  	v56 =	vld [tilespmem:s26+$0x60];
	v4 =	vadd.f32 v4, v1;
	v3 =	vmul.f32 v3, v0;
	v11 =	vmul.f32 v50, v50  }
0x60: {  	v9 =	vadd.f32 v9, v1;
	v12 =	vmul.f32 v51, v51;
	v6 =	vmul.f32 v13, v6  }
0x61: {  	[tilespmem:s26+$0x4070] =	vst v10;
	v7 =	vadd.f32 v7, v1;
	v10 =	vmul.f32 v53, v53;
	v4 =	vmul.f32 v4, v11  }
0x62: {  	v8 =	vadd.f32 v8, v1;
	v58 =	vmul.f32 v54, v54;
	v57 =	vmul.f32 v9, v12;
	[tilespmem:s26+$0x4000] =	vst v6  }
0x63: {  	v5 =	vadd.f32 v5, v1;
	v60 =	vmul.f32 v55, v55;
	v59 =	vmul.f32 v7, v10;
	[tilespmem:s26+$0x4010] =	vst v4  }
0x64: {  	v62 =	vmul.f32 v56, v56;
	v3 =	vadd.f32 v3, v1;
	v61 =	vmul.f32 v8, v58;
	[tilespmem:s26+$0x4020] =	vst v57  }
0x65: {  	v63 =	vmul.f32 v5, v60;
	[tilespmem:s26+$0x4030] =	vst v59  }
0x66: {  	v3 =	vmul.f32 v3, v62;
	[tilespmem:s26+$0x4040] =	vst v61  }
0x67: {  	[tilespmem:s26+$0x4050] =	vst v63  }
0x68: {  	[tilespmem:s26+$0x4060] =	vst v3  }
0x69: {  	v3 =	vld [tilespmem:s7+$0x0];
	_ =	sdelay $0x4  }
0x6a: {  	(v2sf) =	vpush v3, $0x0;
	_ =	sdelay $0xe  }
0x6b: {  	s28 =	simm.s32 $0x1FEC1E4A;
	s26 =	simm.s32 $0x0;
	s25 =	spop (v2sf)  }
.LBB2_4:
0x6c: {  	s0 =	simm.s32 $0x0  }
0x6d: {  	v4 =	vld [tilespmem:s0+$0x4000]  }
0x6e: {  	v6 =	vld [tilespmem:s0+$0x4010]  }
0x6f: {  	s29 =	sshrl.u32 s19, s26;
	v8 =	vld [tilespmem:s0+$0x4020]  }
0x70: {  	s29 =	sadd.s32 s29, s28;
	v7 =	vld [tilespmem:s0+$0x4030]  }
0x71: {  	v5 =	vld [tilespmem:s0+$0x4040];
	v3 =	vmov s29  }
0x72: {  	v9 =	vsub.s32 v4, v3;
	v4 =	vld [tilespmem:s0+$0x4050]  }
0x73: {  	v10 =	vimm.s32 $0x0;
	v11 =	vsub.s32 v6, v3;
	v6 =	vld [tilespmem:s0+$0x4060];
	v9 =	vshra.s32 v9, $0x1F  }
0x74: {  	s30 =	simm.s32 $0x80;
	s31 =	simm.s32 $0x400;
	v9 =	vadd.s32 v10, v9;
	v10 =	vshra.s32 v11, $0x1F;
	v11 =	vsub.s32 v8, v3;
	v8 =	vld [tilespmem:s0+$0x4070]  }
.LBB2_5:
0x75: {  	p1 =	sne.s32 s31, $0x7E00;
	v12 =	vld [tilespmem:s30+$0x4000];
	v9 =	vadd.s32 v10, v9;
	v10 =	vshra.s32 v11, $0x1F;
	v7 =	vsub.s32 v7, v3  }
0x76: {  	v11 =	vld [tilespmem:s30+$0x4010];
	v9 =	vadd.s32 v10, v9;
	v7 =	vshra.s32 v7, $0x1F;
	v5 =	vsub.s32 v5, v3  }
0x77: {  	v13 =	vld [tilespmem:s30+$0x4020];
	v9 =	vadd.s32 v7, v9;
	v5 =	vshra.s32 v5, $0x1F;
	v4 =	vsub.s32 v4, v3  }
.Ltmp3:
0x78: {  	v7 =	vld [tilespmem:s30+$0x4030];
	v9 =	vadd.s32 v5, v9;
	v4 =	vshra.s32 v4, $0x1F;
	v6 =	vsub.s32 v6, v3;
	(pc) =	sbr.rel @p1 .LBB2_5-.Ltmp3, $4  }
0x79: {  	v5 =	vld [tilespmem:s30+$0x4040];
	v9 =	vadd.s32 v4, v9;
	v6 =	vshra.s32 v6, $0x1F;
	v8 =	vsub.s32 v8, v3  }
0x7a: {  	v10 =	vsub.s32 v12, v3;
	v4 =	vld [tilespmem:s30+$0x4050];
	v9 =	vadd.s32 v6, v9;
	v8 =	vshra.s32 v8, $0x1F  }
0x7b: {  	v10 =	vshra.s32 v10, $0x1F;
	v11 =	vsub.s32 v11, v3;
	v6 =	vld [tilespmem:s30+$0x4060];
	v8 =	vadd.s32 v8, v9  }
0x7c: {  	v9 =	vadd.s32 v8, v10;
	v10 =	vshra.s32 v11, $0x1F;
	v11 =	vsub.s32 v13, v3;
	v8 =	vld [tilespmem:s30+$0x4070];
	s30 =	sshra.s32 s31, $0x2;
	s31 =	sadd.s32 $0x200, s31  }
0x7d: {  	v12 =	vld [tilespmem:s30+$0x4000];
	v9 =	vadd.s32 v10, v9;
	v39 =	vshra.s32 v11, $0x1F;
	v7 =	vsub.s32 v7, v3  }
0x7e: {  	v40 =	vld [tilespmem:s30+$0x4010];
	v9 =	vadd.s32 v39, v9;
	v7 =	vshra.s32 v7, $0x1F;
	v5 =	vsub.s32 v5, v3  }
0x7f: {  	v41 =	vld [tilespmem:s30+$0x4020];
	v7 =	vadd.s32 v7, v9;
	v5 =	vshra.s32 v5, $0x1F;
	v4 =	vsub.s32 v4, v3  }
0x80: {  	v42 =	vld [tilespmem:s30+$0x4030];
	v5 =	vadd.s32 v5, v7;
	v4 =	vshra.s32 v4, $0x1F;
	v6 =	vsub.s32 v6, v3  }
0x81: {  	v43 =	vld [tilespmem:s30+$0x4040];
	v4 =	vadd.s32 v4, v5;
	v44 =	vshra.s32 v6, $0x1F;
	v45 =	vsub.s32 v8, v3  }
0x82: {  	v47 =	vld [tilespmem:s30+$0x4050];
	v46 =	vsub.s32 v12, v3;
	v4 =	vadd.s32 v44, v4;
	v48 =	vshra.s32 v45, $0x1F  }
0x83: {  	v51 =	vld [tilespmem:s30+$0x4060];
	v50 =	vsub.s32 v40, v3;
	v49 =	vshra.s32 v46, $0x1F;
	v4 =	vadd.s32 v48, v4  }
0x84: {  	v54 =	vld [tilespmem:s30+$0x4070];
	v53 =	vsub.s32 v41, v3;
	v52 =	vshra.s32 v50, $0x1F;
	v4 =	vadd.s32 v4, v49  }
0x85: {  	v56 =	vsub.s32 v42, v3;
	v55 =	vshra.s32 v53, $0x1F;
	v4 =	vadd.s32 v52, v4  }
0x86: {  	v58 =	vsub.s32 v43, v3;
	v57 =	vshra.s32 v56, $0x1F;
	v4 =	vadd.s32 v55, v4  }
0x87: {  	v60 =	vsub.s32 v47, v3;
	v59 =	vshra.s32 v58, $0x1F;
	v4 =	vadd.s32 v57, v4  }
0x88: {  	v62 =	vsub.s32 v51, v3;
	v61 =	vshra.s32 v60, $0x1F;
	v4 =	vadd.s32 v59, v4  }
0x89: {  	v3 =	vsub.s32 v54, v3;
	v63 =	vshra.s32 v62, $0x1F;
	v4 =	vadd.s32 v61, v4  }
0x8a: {  	v3 =	vshra.s32 v3, $0x1F;
	v4 =	vadd.s32 v63, v4  }
0x8b: {  	v3 =	vadd.s32 v3, v4  }
0x8c: {  	(v2sf) =	vpush v3, $0x0  }
0x8d: {  	(v2sf) =	vpush v3, $0x1  }
0x8e: {  	(v2sf) =	vpush v3, $0x2  }
0x8f: {  	(v2sf) =	vpush v3, $0x3  }
0x90: {  	(v2sf) =	vpush v3, $0x4  }
0x91: {  	(v2sf) =	vpush v3, $0x5  }
0x92: {  	(v2sf) =	vpush v3, $0x6  }
0x93: {  	(v2sf) =	vpush v3, $0x7  }
0x94: {  	(v2sf) =	vpush v3, $0x8  }
0x95: {  	(v2sf) =	vpush v3, $0x9  }
0x96: {  	(v2sf) =	vpush v3, $0xA  }
0x97: {  	(v2sf) =	vpush v3, $0xB  }
0x98: {  	(v2sf) =	vpush v3, $0xC  }
0x99: {  	(v2sf) =	vpush v3, $0xD  }
0x9a: {  	(v2sf) =	vpush v3, $0xE  }
0x9b: {  	s0 =	spop (v2sf);
	(v2sf) =	vpush v3, $0xF  }
0x9c: {  	s31 =	spop (v2sf)  }
0x9d: {  	s0 =	sadd.s32 s31, s0;
	s31 =	spop (v2sf)  }
0x9e: {  	s0 =	sadd.s32 s31, s0;
	s31 =	spop (v2sf)  }
0x9f: {  	s0 =	sadd.s32 s31, s0;
	s31 =	spop (v2sf)  }
0xa0: {  	s0 =	sadd.s32 s31, s0;
	s31 =	spop (v2sf)  }
0xa1: {  	s0 =	sadd.s32 s31, s0;
	s31 =	spop (v2sf)  }
0xa2: {  	s0 =	sadd.s32 s31, s0;
	s31 =	spop (v2sf)  }
0xa3: {  	s0 =	sadd.s32 s31, s0;
	s31 =	spop (v2sf)  }
0xa4: {  	s0 =	sadd.s32 s31, s0;
	s31 =	spop (v2sf)  }
0xa5: {  	s0 =	sadd.s32 s31, s0;
	s31 =	spop (v2sf)  }
0xa6: {  	s0 =	sadd.s32 s31, s0;
	s31 =	spop (v2sf)  }
0xa7: {  	s0 =	sadd.s32 s31, s0;
	s31 =	spop (v2sf)  }
0xa8: {  	s0 =	sadd.s32 s31, s0;
	s31 =	spop (v2sf)  }
0xa9: {  	s0 =	sadd.s32 s31, s0;
	s31 =	spop (v2sf)  }
0xaa: {  	s0 =	sadd.s32 s31, s0;
	s31 =	spop (v2sf)  }
0xab: {  	s0 =	sadd.s32 s31, s0  }
0xac: {  	s0 =	sadd.s32 $0x2000, s0  }
0xad: {  	s26 =	sadd.s32 $0x1, s26;
	p1 =	slt.s32 s0, s25  }
0xae: {  	s29 =	smov.u32 @p1 s28;
	p1 =	seq.s32 s26, $0x1E  }
.Ltmp4:
0xaf: {  	_ = 	snop;
	(pc) =	sbr.rel @!p1 .LBB2_4-.Ltmp4, $2  }
0xb0: {  	_ =	sdelay $0x2  }
0xb1: {  	s28 =	smov.u32 s29  }
0xb2: {  	s26 =	simm.s32 $0x0  }
0xb3: {  	v4 =	vld [tilespmem:s26+$0x4070]  }
0xb4: {  	v6 =	vld [tilespmem:s26+$0x4000]  }
0xb5: {  	v9 =	vld [tilespmem:s26+$0x4010]  }
0xb6: {  	v8 =	vld [tilespmem:s26+$0x4020]  }
0xb7: {  	v3 =	vmov s29;
	v7 =	vld [tilespmem:s26+$0x4030]  }
0xb8: {  	v5 =	vld [tilespmem:s26+$0x4040];
	vm0 =	vge.s32 v4, v3  }
0xb9: {  	v4 =	vld [tilespmem:s26+$0x4050];
	vm1 =	vge.s32 v6, v3;
	v10 =	vsel vm0, $0x1, v2  }
0xba: {  	s25 =	simm.s32 $0x80;
	s28 =	simm.s32 $0x400;
	v6 =	vld [tilespmem:s26+$0x4060];
	vm0 =	vge.s32 v9, v3;
	v9 =	vsel vm1, $0x1, v2;
	[tilespmem:s26+$0x6070] =	vst v10  }
.LBB2_8:
0xbb: {  	p1 =	sne.s32 s28, $0x7E00;
	v10 =	vld [tilespmem:s25+$0x4070];
	[tilespmem:s26+$0x6000] =	vst v9;
	v9 =	vsel vm0, $0x1, v2;
	vm0 =	vge.s32 v8, v3  }
0xbc: {  	v11 =	vld [tilespmem:s25+$0x4000];
	[tilespmem:s26+$0x6010] =	vst v9;
	v8 =	vsel vm0, $0x1, v2;
	vm0 =	vge.s32 v7, v3  }
0xbd: {  	v12 =	vld [tilespmem:s25+$0x4010];
	[tilespmem:s26+$0x6020] =	vst v8;
	v7 =	vsel vm0, $0x1, v2;
	vm0 =	vge.s32 v5, v3  }
.Ltmp5:
0xbe: {  	v8 =	vld [tilespmem:s25+$0x4020];
	[tilespmem:s26+$0x6030] =	vst v7;
	v5 =	vsel vm0, $0x1, v2;
	vm0 =	vge.s32 v4, v3;
	(pc) =	sbr.rel @p1 .LBB2_8-.Ltmp5, $4  }
0xbf: {  	v7 =	vld [tilespmem:s25+$0x4030];
	[tilespmem:s26+$0x6040] =	vst v5;
	v4 =	vsel vm0, $0x1, v2;
	vm0 =	vge.s32 v6, v3  }
0xc0: {  	v5 =	vld [tilespmem:s25+$0x4040];
	vm1 =	vge.s32 v10, v3;
	[tilespmem:s26+$0x6050] =	vst v4;
	v6 =	vsel vm0, $0x1, v2  }
0xc1: {  	vm0 =	vge.s32 v11, v3;
	v4 =	vld [tilespmem:s25+$0x4050];
	v10 =	vsel vm1, $0x1, v2;
	[tilespmem:s26+$0x6060] =	vst v6;
	s26 =	smov.u32 s25  }
0xc2: {  	s25 =	sshra.s32 s28, $0x2;
	s28 =	sadd.s32 $0x200, s28;
	v9 =	vsel vm0, $0x1, v2;
	vm0 =	vge.s32 v12, v3;
	v6 =	vld [tilespmem:s26+$0x4060];
	[tilespmem:s26+$0x6070] =	vst v10  }
0xc3: {  	v10 =	vld [tilespmem:s25+$0x4070];
	[tilespmem:s26+$0x6000] =	vst v9;
	v53 =	vsel vm0, $0x1, v2;
	vm4 =	vge.s32 v8, v3  }
0xc4: {  	v11 =	vld [tilespmem:s25+$0x4000];
	[tilespmem:s26+$0x6010] =	vst v53;
	v8 =	vsel vm4, $0x1, v2;
	vm5 =	vge.s32 v7, v3  }
0xc5: {  	v9 =	vld [tilespmem:s25+$0x4010];
	[tilespmem:s26+$0x6020] =	vst v8;
	v7 =	vsel vm5, $0x1, v2;
	vm6 =	vge.s32 v5, v3  }
0xc6: {  	v8 =	vld [tilespmem:s25+$0x4020];
	[tilespmem:s26+$0x6030] =	vst v7;
	v5 =	vsel vm6, $0x1, v2;
	vm7 =	vge.s32 v4, v3  }
0xc7: {  	v7 =	vld [tilespmem:s25+$0x4030];
	[tilespmem:s26+$0x6040] =	vst v5;
	v4 =	vsel vm7, $0x1, v2;
	vm8 =	vge.s32 v6, v3  }
0xc8: {  	v5 =	vld [tilespmem:s25+$0x4040];
	[tilespmem:s26+$0x6050] =	vst v4;
	v54 =	vsel vm8, $0x1, v2;
	vm9 =	vge.s32 v10, v3  }
0xc9: {  	v55 =	vld [tilespmem:s25+$0x4050];
	[tilespmem:s26+$0x6060] =	vst v54;
	vm1 =	vge.s32 v11, v3;
	v56 =	vsel vm9, $0x1, v2  }
0xca: {  	v57 =	vld [tilespmem:s25+$0x4060];
	vm10 =	vge.s32 v9, v3;
	v58 =	vsel vm1, $0x1, v2;
	[tilespmem:s25+$0x6070] =	vst v56  }
0xcb: {  	[tilespmem:s25+$0x6000] =	vst v58;
	v59 =	vsel vm10, $0x1, v2;
	vm11 =	vge.s32 v8, v3  }
0xcc: {  	[tilespmem:s25+$0x6010] =	vst v59;
	v60 =	vsel vm11, $0x1, v2;
	vm12 =	vge.s32 v7, v3  }
0xcd: {  	[tilespmem:s25+$0x6020] =	vst v60;
	v61 =	vsel vm12, $0x1, v2;
	vm13 =	vge.s32 v5, v3  }
0xce: {  	[tilespmem:s25+$0x6030] =	vst v61;
	v62 =	vsel vm13, $0x1, v2;
	vm14 =	vge.s32 v55, v3  }
0xcf: {  	[tilespmem:s25+$0x6040] =	vst v62;
	v63 =	vsel vm14, $0x1, v2;
	vm15 =	vge.s32 v57, v3  }
0xd0: {  	[tilespmem:s25+$0x6050] =	vst v63;
	v3 =	vsel vm15, $0x1, v2  }
.Ltmp6:
0xd1: {  	[tilespmem:s25+$0x6060] =	vst v3;
	(pc) =	sbr.rel @p0 .LBB2_13-.Ltmp6, $4  }
0xd2: {  	[hbm4b:s8+s14] =	stream.strided.scatter [tilespmem:s20], [sflag:$0x3], $0x2000, s15, s14, $0x38;
	[tilespmem:$0xAC00] =	vst v63  }
0xd3: {  	_ =	swait.ge [sflag:s21], $0x2000  }
0xd4: {  	[sflag:s21] =	ssyncset.done $0x0  }
0xd5: {  	[sflag:s21] =	ssyncadd.s32 $0xFFFFE000  }
0xd6: {  	v3 =	vld [tilespmem:s22+$0xA800];
	_ =	sdelay $0x3  }
0xd7: {  	s25 =	simm.s32 $0x0;
	s26 =	simm.s32 $0x200  }
.LBB2_11:
0xd8: {  	p1 =	sne.s32 s26, $0x7E00;
	[tilespmem:s25+$0x8070] =	vst v3  }
0xd9: {  	[tilespmem:s25+$0x8000] =	vst v3  }
0xda: {  	[tilespmem:s25+$0x8010] =	vst v3  }
.Ltmp7:
0xdb: {  	[tilespmem:s25+$0x8020] =	vst v3;
	(pc) =	sbr.rel @p1 .LBB2_11-.Ltmp7, $4  }
0xdc: {  	[tilespmem:s25+$0x8030] =	vst v3  }
0xdd: {  	[tilespmem:s25+$0x8040] =	vst v3  }
0xde: {  	[tilespmem:s25+$0x8050] =	vst v3  }
0xdf: {  	[tilespmem:s25+$0x8060] =	vst v3;
	s25 =	sshra.s32 s26, $0x2;
	s26 =	sadd.s32 $0x200, s26  }
0xe0: {  	[tilespmem:s25+$0x8070] =	vst v3  }
0xe1: {  	[tilespmem:s25+$0x8000] =	vst v3  }
0xe2: {  	[tilespmem:s25+$0x8010] =	vst v3  }
0xe3: {  	[tilespmem:s25+$0x8020] =	vst v3  }
0xe4: {  	[tilespmem:s25+$0x8030] =	vst v3  }
0xe5: {  	[tilespmem:s25+$0x8040] =	vst v3  }
0xe6: {  	[tilespmem:s25+$0x8050] =	vst v3  }
.Ltmp8:
0xe7: {  	[tilespmem:s25+$0x8060] =	vst v3;
	(pc) =	sbr.rel .LBB2_13-.Ltmp8, $4  }
0xe8: {  	[hbm4b:s9+s14] =	stream.strided.scatter [tilespmem:s23], [sflag:$0x4], $0x2000, s15, s14, $0x38;
	[tilespmem:$0xAC00] =	vst v63  }
0xe9: {  	_ =	swait.ge [sflag:s12], $0x2000  }
0xea: {  	[sflag:s12] =	ssyncset.done $0x0  }
0xeb: {  	[sflag:s12] =	ssyncadd.s32 $0xFFFFE000  }
.LBB2_14:
0xec: {  	_ =	sfence.sel $0x180000  }
0xed: {  	[bflag:$0x0] =	sbarrier.arrive $0xFFFF  }
0xee: {  	_ =	strace $0x90000047  }
0xef: {  	[bflag:$0x2] =	sbarrier.arrive $0xFFFF  }
0xf0: {  	p0 =	sne.s32 s1, $0x0;
	s0 =	rddreg [dreg:$0x6]  }
0xf1: {  	s0 =	sadd.s32 @!p0 $0x100000, s0  }
0xf2: {  	[sflag:s0] =	ssyncadd.tile.s32 @!p0 $0x1;
	_ =	shalt  }
.Lfunc_end2:
_tile_overlayer_lowered:
.L_overlay_start_2:
0xf3: {  	(tag) =	ssettag $0x2  }
0xf4: {  	s0 =	rddreg [dreg:$0x0];
	s2 =	stileid.u32  }
0xf5: {  	s1 =	rddreg [dreg:$0x1];
	p0 =	sne.s32 s2, $0x0  }
0xf6: {  	s3 =	rddreg [dreg:$0x2];
	[bflag:$0x3] =	sbarrier.arrive $0xFFFF;
	s2 =	simm.s32 @!p0 $0x1C04  }
0xf7: {  	[timem:s3], [sflag:s2] =	dma.local @!p0 [hbm:s0], s1  }
0xf8: {  	s0 =	simm.s32 @!p0 $0x4  }
0xf9: {  	_ =	swait.ge @!p0 [sflag:s0], s1  }
0xfa: {  	s1 =	ssub.s32 @!p0 $0x0, s1;
	[sflag:s0] =	ssyncset.done @!p0 $0x0  }
0xfb: {  	[sflag:s0] =	ssyncadd.s32 @!p0 s1  }
0xfc: {  	[bflag:$0x3] =	sbarrier.arrive $0xFFFF  }
0xfd: {  	_ =	shalt  }

</sc_bundles>
